<compile_context>
chip_gen: v7x
topology: tpu7x:2x2x1
jax: 0.10.2.dev20260603
libtpu: 0.0.44.dev20260713+nightly
codegen_flags: <defaults>
</compile_context>

<pallas_src>
import functools

import jax
import jax.numpy as jnp
from jax import lax
from jax.experimental import pallas as pl
from jax.experimental.pallas import tpu as pltpu
from jax.experimental.pallas import tpu_sc as plsc

EPS = 1e-15
MAXN = 1.0 - 1e-5
NGRAPH = 64
NC, NS = 2, 16
NW = NC * NS
CHUNK = 128
BROWS = 2000



def _norm(x):
    return jnp.maximum(jnp.sqrt(jnp.sum(x * x, axis=-1, keepdims=True)), EPS)


def _artanh(x):
    x = jnp.clip(x, -1.0 + 1e-7, 1.0 - 1e-7)
    return 0.5 * jnp.log((1.0 + x) / (1.0 - x))


def _proj(x):
    n = _norm(x)
    return jnp.where(n > MAXN, x / n * MAXN, x)


def _expmap0(u):
    n = _norm(u)
    return jnp.tanh(n) * u / n


def _logmap0(p):
    n = _norm(p)
    return _artanh(n) * p / n


def _mobius_add(x, y):
    x2 = jnp.sum(x * x, axis=-1, keepdims=True)
    y2 = jnp.sum(y * y, axis=-1, keepdims=True)
    xy = jnp.sum(x * y, axis=-1, keepdims=True)
    num = (1.0 + 2.0 * xy + y2) * x + (1.0 - x2) * y
    den = 1.0 + 2.0 * xy + x2 * y2
    return num / jnp.maximum(den, EPS)


def _hyp_linear_t(x, wt, b):
    mx = jnp.dot(x, wt, preferred_element_type=jnp.float32)
    xn = _norm(x)
    mxn = _norm(mx)
    mv = jnp.tanh(mxn / xn * _artanh(xn)) * mx / mxn
    hb = _proj(_expmap0(b))
    return _proj(_mobius_add(_proj(mv), hb))


def _post_agg(p0, p1, d0, d1):
    deg = jnp.maximum(d0 + d1, 1.0)
    return _proj(_expmap0((p0 + p1) / deg))



def _lin_first_body(x_ref, wt_ref, b_ref, v_ref):
    h = _proj(_expmap0(x_ref[...]))
    h = _hyp_linear_t(h, wt_ref[...], b_ref[...])
    v_ref[...] = _logmap0(h)


def _lin_mid_body(p0_ref, p1_ref, d0_ref, d1_ref, wt_ref, b_ref, v_ref):
    h = _post_agg(p0_ref[...], p1_ref[...], d0_ref[...], d1_ref[...])
    t = _logmap0(h)
    t = jnp.where(t >= 0, t, 0.2 * t)
    h = _proj(_expmap0(t))
    h = _hyp_linear_t(h, wt_ref[...], b_ref[...])
    v_ref[...] = _logmap0(h)


def _pool_body(p0_ref, p1_ref, d0_ref, d1_ref, batch_ref, sums_ref, cnts_ref):
    i = pl.program_id(0)
    h = _post_agg(p0_ref[...], p1_ref[...], d0_ref[...], d1_ref[...])
    t = _logmap0(h)
    b = batch_ref[...]
    g = lax.broadcasted_iota(jnp.int32, (NGRAPH, t.shape[0]), 0)
    m = (g == b[:, 0][None, :]).astype(jnp.float32)

    @pl.when(i == 0)
    def _():
        sums_ref[...] = jnp.zeros_like(sums_ref)
        cnts_ref[...] = jnp.zeros_like(cnts_ref)

    sums_ref[...] += jnp.dot(m, t, preferred_element_type=jnp.float32)
    cnts_ref[...] += jnp.sum(m, axis=1, keepdims=True)


def _final_body(sums_ref, cnts_ref, wt_ref, b_ref, out_ref):
    pooled = sums_ref[...] / jnp.maximum(cnts_ref[...], 1.0)
    z = _expmap0(pooled)
    out_ref[...] = _hyp_linear_t(z, wt_ref[...], b_ref[...])



@functools.lru_cache(maxsize=None)
def _make_deg_kernel(e_pad, n_acc):
    n_per_tile = n_acc // NS
    e_per_tile = e_pad // NW
    n_chunks = e_per_tile // CHUNK
    mesh = plsc.VectorSubcoreMesh(core_axis_name="c", subcore_axis_name="s")

    @functools.partial(
        pl.kernel,
        out_type=jax.ShapeDtypeStruct((NC, n_acc, 128), jnp.float32),
        mesh=mesh,
        scratch_types=[
            pltpu.VMEM((CHUNK,), jnp.int32),
            pltpu.VMEM((CHUNK, 128), jnp.float32),
            pltpu.VMEM_SHARED((n_acc, 128), jnp.float32),
        ],
    )
    def deg_kernel(dst_hbm, zeros_hbm, ones_hbm, out_hbm, dst_v, ones_v, acc_sh):
        cid = lax.axis_index("c")
        sid = lax.axis_index("s")
        wid = sid * NC + cid
        row0 = sid * n_per_tile
        pltpu.sync_copy(zeros_hbm.at[pl.ds(row0, n_per_tile)],
                        acc_sh.at[pl.ds(row0, n_per_tile)])
        pltpu.sync_copy(ones_hbm, ones_v)
        plsc.subcore_barrier()
        base = wid * e_per_tile

        def chunk(j, carry):
            pltpu.sync_copy(dst_hbm.at[pl.ds(base + j * CHUNK, CHUNK)], dst_v)
            pltpu.sync_copy(ones_v, acc_sh.at[dst_v], add=True)
            return carry

        lax.fori_loop(0, n_chunks, chunk, 0)
        plsc.subcore_barrier()
        pltpu.sync_copy(acc_sh.at[pl.ds(row0, n_per_tile)],
                        out_hbm.at[cid, pl.ds(row0, n_per_tile)])

    return deg_kernel


@functools.lru_cache(maxsize=None)
def _make_agg_kernel(e_pad, n_acc, d):
    n_per_tile = n_acc // NS
    e_per_tile = e_pad // NW
    n_chunks = e_per_tile // CHUNK
    mesh = plsc.VectorSubcoreMesh(core_axis_name="c", subcore_axis_name="s")

    @functools.partial(
        pl.kernel,
        out_type=jax.ShapeDtypeStruct((NC, n_acc, d), jnp.float32),
        mesh=mesh,
        scratch_types=[
            pltpu.VMEM((CHUNK,), jnp.int32),
            pltpu.VMEM((CHUNK,), jnp.int32),
            pltpu.VMEM((CHUNK, d), jnp.float32),
            pltpu.VMEM_SHARED((n_acc, d), jnp.float32),
            pltpu.SemaphoreType.DMA,
        ],
    )
    def agg_kernel(v_hbm, src_hbm, dst_hbm, zeros_hbm, out_hbm,
                   src_v, dst_v, rows_v, acc_sh, sem):
        cid = lax.axis_index("c")
        sid = lax.axis_index("s")
        wid = sid * NC + cid
        row0 = sid * n_per_tile
        pltpu.sync_copy(zeros_hbm.at[pl.ds(row0, n_per_tile)],
                        acc_sh.at[pl.ds(row0, n_per_tile)])
        plsc.subcore_barrier()
        base = wid * e_per_tile

        def chunk(j, carry):
            off = base + j * CHUNK
            pltpu.sync_copy(src_hbm.at[pl.ds(off, CHUNK)], src_v)
            pltpu.sync_copy(dst_hbm.at[pl.ds(off, CHUNK)], dst_v)
            pltpu.async_copy(v_hbm.at[src_v], rows_v, sem).wait()
            pltpu.sync_copy(rows_v, acc_sh.at[dst_v], add=True)
            return carry

        lax.fori_loop(0, n_chunks, chunk, 0)
        plsc.subcore_barrier()
        pltpu.sync_copy(acc_sh.at[pl.ds(row0, n_per_tile)],
                        out_hbm.at[cid, pl.ds(row0, n_per_tile)])

    return agg_kernel



def _row_specs(n_blocks):
    del n_blocks
    full = pl.BlockSpec((BROWS, 128), lambda i: (i, 0))
    col = pl.BlockSpec((BROWS, 1), lambda i: (i, 0))
    w = pl.BlockSpec((128, 128), lambda i: (0, 0))
    b = pl.BlockSpec((1, 128), lambda i: (0, 0))
    return full, col, w, b


def kernel(x, edge_index, batch, W1, b1, W2, b2, W3, b3, W4, b4):
    n, d = x.shape
    e = edge_index.shape[1]
    src = edge_index[0].astype(jnp.int32)
    dst = edge_index[1].astype(jnp.int32)

    epw = NW * CHUNK
    e_pad = ((e + epw - 1) // epw) * epw
    n_acc = ((n + NS * 8) // (NS * 8)) * (NS * 8)
    if e_pad > e:
        src = jnp.concatenate([src, jnp.zeros((e_pad - e,), jnp.int32)])
        dst = jnp.concatenate([dst, jnp.full((e_pad - e,), n, jnp.int32)])

    zeros_d = jnp.zeros((n_acc, d), jnp.float32)
    ones_d = jnp.ones((CHUNK, 128), jnp.float32)
    batch_c = batch.astype(jnp.int32).reshape(n, 1)

    n_blocks = n // BROWS
    full, col, wspec, bspec = _row_specs(n_blocks)

    deg_p = _make_deg_kernel(e_pad, n_acc)(dst, zeros_d, ones_d)
    d0 = deg_p[0, :n, 0:1]
    d1 = deg_p[1, :n, 0:1]

    agg = _make_agg_kernel(e_pad, n_acc, d)

    v1 = pl.pallas_call(
        _lin_first_body,
        grid=(n_blocks,),
        in_specs=[full, wspec, bspec],
        out_specs=full,
        out_shape=jax.ShapeDtypeStruct((n, d), jnp.float32),
    )(x, W1.T, b1.reshape(1, d))

    p = agg(v1, src, dst, zeros_d)
    v2 = pl.pallas_call(
        _lin_mid_body,
        grid=(n_blocks,),
        in_specs=[full, full, col, col, wspec, bspec],
        out_specs=full,
        out_shape=jax.ShapeDtypeStruct((n, d), jnp.float32),
    )(p[0, :n], p[1, :n], d0, d1, W2.T, b2.reshape(1, d))

    p = agg(v2, src, dst, zeros_d)
    v3 = pl.pallas_call(
        _lin_mid_body,
        grid=(n_blocks,),
        in_specs=[full, full, col, col, wspec, bspec],
        out_specs=full,
        out_shape=jax.ShapeDtypeStruct((n, d), jnp.float32),
    )(p[0, :n], p[1, :n], d0, d1, W3.T, b3.reshape(1, d))

    p = agg(v3, src, dst, zeros_d)
    sums, cnts = pl.pallas_call(
        _pool_body,
        grid=(n_blocks,),
        in_specs=[full, full, col, col,
                  pl.BlockSpec((BROWS, 1), lambda i: (i, 0))],
        out_specs=[pl.BlockSpec((NGRAPH, 128), lambda i: (0, 0)),
                   pl.BlockSpec((NGRAPH, 1), lambda i: (0, 0))],
        out_shape=[jax.ShapeDtypeStruct((NGRAPH, 128), jnp.float32),
                   jax.ShapeDtypeStruct((NGRAPH, 1), jnp.float32)],
    )(p[0, :n], p[1, :n], d0, d1, batch_c)

    out = pl.pallas_call(
        _final_body,
        grid=(1,),
        in_specs=[pl.BlockSpec((NGRAPH, 128), lambda i: (0, 0)),
                  pl.BlockSpec((NGRAPH, 1), lambda i: (0, 0)),
                  wspec, bspec],
        out_specs=pl.BlockSpec((NGRAPH, 128), lambda i: (0, 0)),
        out_shape=jax.ShapeDtypeStruct((NGRAPH, 128), jnp.float32),
    )(sums, cnts, W4.T, b4.reshape(1, d))

    return out

# --- scband reference (transcript-rebuilt; emitter-appended) ---
"""Pipeline reference for scband-hyper-gnn-79130477462184 (READ-ONLY COPY).

The authoritative reference and input builder live on the scoring server;
editing this copy changes nothing except your own understanding.
"""

import jax, jax.numpy as jnp
import numpy as np

EPS = 1e-15
MAXN = 1.0 - 1e-5
NUM_GRAPHS = 64

def _norm(x):
    return jnp.clip(jnp.linalg.norm(x, axis=-1, keepdims=True), EPS)

def artanh(x):
    x = jnp.clip(x, -1.0 + 1e-7, 1.0 - 1e-7)
    return 0.5 * jnp.log((1.0 + x) / (1.0 - x))

def proj(x):
    n = _norm(x)
    return jnp.where(n > MAXN, x / n * MAXN, x)

def expmap0(u):
    n = _norm(u)
    return jnp.tanh(n) * u / n

def logmap0(p):
    n = _norm(p)
    return artanh(n) * p / n

def mobius_matvec(W, x):
    mx = x @ W.T
    xn = _norm(x)
    mxn = _norm(mx)
    return jnp.tanh(mxn / xn * artanh(xn)) * mx / mxn

def mobius_add(x, y):
    x2 = jnp.sum(x * x, axis=-1, keepdims=True)
    y2 = jnp.sum(y * y, axis=-1, keepdims=True)
    xy = jnp.sum(x * y, axis=-1, keepdims=True)
    num = (1.0 + 2.0 * xy + y2) * x + (1.0 - x2) * y
    den = 1.0 + 2.0 * xy + x2 * y2
    return num / jnp.maximum(den, EPS)

def hyp_linear(x, W, b):
    mx = proj(mobius_matvec(W, x))
    hb = proj(expmap0(b[None, :]))
    return proj(mobius_add(mx, hb))

def hyp_agg(x, src, dst, n):
    xt = logmap0(x)
    msg = jnp.take(xt, src, axis=0)
    agg = jax.ops.segment_sum(msg, dst, num_segments=n)
    deg = jax.ops.segment_sum(jnp.ones_like(dst, dtype=xt.dtype), dst, num_segments=n)
    agg = agg / jnp.maximum(deg[:, None], 1.0)
    return proj(expmap0(agg))

def hgcn_layer(x, W, b, src, dst, n, use_act):
    h = hyp_linear(x, W, b)
    h = hyp_agg(h, src, dst, n)
    if use_act:
        h = proj(expmap0(jax.nn.leaky_relu(logmap0(h), 0.2)))
    return h

def setup_inputs(seed: int = 0):
    key = jax.random.key(seed)
    ks = jax.random.split(key, 12)
    N, E, D, H, OUT = 10000, 320000, 128, 128, 128
    x = jax.random.normal(ks[0], (N, D), dtype=jnp.float32)
    edge_index = jax.random.randint(ks[1], (2, E), 0, N)
    batch = jnp.sort(jax.random.randint(ks[2], (N,), 0, NUM_GRAPHS))
    W1 = jax.random.normal(ks[3], (H, D), dtype=jnp.float32) / np.sqrt(D)
    b1 = jax.random.normal(ks[4], (H,), dtype=jnp.float32) * 0.01
    W2 = jax.random.normal(ks[5], (H, H), dtype=jnp.float32) / np.sqrt(H)
    b2 = jax.random.normal(ks[6], (H,), dtype=jnp.float32) * 0.01
    W3 = jax.random.normal(ks[7], (H, H), dtype=jnp.float32) / np.sqrt(H)
    b3 = jax.random.normal(ks[8], (H,), dtype=jnp.float32) * 0.01
    W4 = jax.random.normal(ks[9], (OUT, H), dtype=jnp.float32) / np.sqrt(H)
    b4 = jax.random.normal(ks[10], (OUT,), dtype=jnp.float32) * 0.01
    return {"x": x, "edge_index": edge_index, "batch": batch,
            "W1": W1, "b1": b1, "W2": W2, "b2": b2,
            "W3": W3, "b3": b3, "W4": W4, "b4": b4}

def reference(x, edge_index, batch, W1, b1, W2, b2, W3, b3, W4, b4):
    # add_self_loops(edge_index) in the original forward discards its result -> no-op
    src, dst = edge_index[0], edge_index[1]
    N = x.shape[0]
    h = proj(expmap0(x))
    h = hgcn_layer(h, W1, b1, src, dst, N, use_act=True)
    h = hgcn_layer(h, W2, b2, src, dst, N, use_act=True)
    h = hgcn_layer(h, W3, b3, src, dst, N, use_act=False)
    t = logmap0(h)
    sums = jax.ops.segment_sum(t, batch, num_segments=NUM_GRAPHS)
    cnts = jax.ops.segment_sum(jnp.ones((N,), t.dtype), batch, num_segments=NUM_GRAPHS)
    pooled = sums / jnp.maximum(cnts[:, None], 1.0)
    # dropout p=0.5 is identity in eval mode
    z = expmap0(pooled)
    out = hyp_linear(z, W4, b4)
    return out

if __name__ == "__main__":
    import jax
    _d = setup_inputs()
    print(jax.jit(kernel)(*tuple(_d.values())))

</pallas_src>

<mosaic_0001>
#map = affine_map<(d0, d1) -> (0, 0)>
#map1 = affine_map<(d0, d1) -> (0)>
#map2 = affine_map<(d0, d1) -> (0, 0, 0)>
module attributes {stable_mosaic.version = 14 : i64} {
  func.func @agg_kernel(%arg0: i32, %arg1: i32, %arg2: memref<10000x128xf32, #tpu.memory_space<hbm>>, %arg3: memref<323584xi32, #tpu.memory_space<hbm>>, %arg4: memref<323584xi32, #tpu.memory_space<hbm>>, %arg5: memref<10112x128xf32, #tpu.memory_space<hbm>>, %arg6: memref<2x10112x128xf32, #tpu.memory_space<hbm>>, %arg7: memref<128xi32, #tpu.memory_space<vmem>>, %arg8: memref<128xi32, #tpu.memory_space<vmem>>, %arg9: memref<128x128xf32, #tpu.memory_space<vmem>>, %arg10: memref<10112x128xf32, #tpu.memory_space<vmem_shared>>, %arg11: memref<!tpu.dma_semaphore, #tpu.memory_space<semaphore_mem>>) attributes {dimension_semantics = [#tpu.dimension_semantics<core_parallel>, #tpu.dimension_semantics<subcore_parallel>], iteration_bounds = array<i64: 2, 16>, scalar_prefetch = 0 : i64, scratch_operands = 5 : i64, tpu.core_type = #tpu.core_type<sc_vector_subcore>, window_params = [{transform_indices = #map}, {transform_indices = #map1}, {transform_indices = #map1}, {transform_indices = #map}, {transform_indices = #map2}]} {
    %mul3A = arith.constant 2 : i32
    %mul3A_0 = arith.muli %arg1, %mul3A : i32
    %add3A = arith.addi %mul3A_0, %arg0 : i32
    %mul3A_1 = arith.constant 632 : i32
    %mul3A_2 = arith.muli %arg1, %mul3A_1 : i32
    "tpu.region"() ({
      %run_scoped3A = tpu.sem_alloc : memref<!tpu.dma_semaphore, #tpu.memory_space<semaphore_mem>>
      %dma_start3A = arith.constant 0 : i32
      %dma_start3A_11 = tpu.memref_slice %arg10[%mul3A_2, %dma_start3A] : memref<10112x128xf32, #tpu.memory_space<vmem_shared>> -> memref<632x128xf32, #tpu.memory_space<vmem_shared>>
      %dma_start3A_12 = arith.constant 0 : i32
      %dma_start3A_13 = tpu.memref_slice %arg5[%mul3A_2, %dma_start3A_12] : memref<10112x128xf32, #tpu.memory_space<hbm>> -> memref<632x128xf32, #tpu.memory_space<hbm>>
      tpu.enqueue_dma source(%dma_start3A_13 : memref<632x128xf32, #tpu.memory_space<hbm>>) target(%dma_start3A_11 : memref<632x128xf32, #tpu.memory_space<vmem_shared>>) target_semaphore(%run_scoped3A : memref<!tpu.dma_semaphore, #tpu.memory_space<semaphore_mem>>)
      %dma_wait3A = arith.constant 0 : i32
      %dma_wait3A_14 = tpu.memref_slice %arg10[%mul3A_2, %dma_wait3A] : memref<10112x128xf32, #tpu.memory_space<vmem_shared>> -> memref<632x128xf32, #tpu.memory_space<vmem_shared>>
      %dma_wait3A_15 = arith.constant 0 : i32
      %dma_wait3A_16 = tpu.memref_slice %arg5[%mul3A_2, %dma_wait3A_15] : memref<10112x128xf32, #tpu.memory_space<hbm>> -> memref<632x128xf32, #tpu.memory_space<hbm>>
      tpu.wait_dma2 semaphore(%run_scoped3A : memref<!tpu.dma_semaphore, #tpu.memory_space<semaphore_mem>>) src(%dma_wait3A_16 : memref<632x128xf32, #tpu.memory_space<hbm>>) dst(%dma_wait3A_14 : memref<632x128xf32, #tpu.memory_space<vmem_shared>>)
      tpu.yield
    }) : () -> ()
    %barrier3A = arith.constant 0 : index
    tpu.barrier barrier_id(%barrier3A)
    %mul3A_3 = arith.constant 10112 : i32
    %mul3A_4 = arith.muli %add3A, %mul3A_3 : i32
    %scan3A = arith.constant 0 : i32
    %scan3A_5 = arith.constant 0 : i32
    %scan3A_6 = arith.constant 79 : i32
    %scan3A_7 = arith.addi %scan3A_5, %scan3A_6 : i32
    %scan3A_8 = arith.constant 1 : i32
    scf.for %scan3A_11 = %scan3A_5 to %scan3A_7 step %scan3A_8  : i32 {
      %mul3A_12 = arith.constant 128 : i32
      %mul3A_13 = arith.muli %scan3A_11, %mul3A_12 : i32
      %add3A_14 = arith.addi %mul3A_4, %mul3A_13 : i32
      "tpu.region"() ({
        %run_scoped3A = tpu.sem_alloc : memref<!tpu.dma_semaphore, #tpu.memory_space<semaphore_mem>>
        %dma_start3A_19 = tpu.memref_slice %arg3[%add3A_14] : memref<323584xi32, #tpu.memory_space<hbm>> -> memref<128xi32, #tpu.memory_space<hbm>>
        %dma_start3A_20 = tpu.memref_slice %arg3[%add3A_14] : memref<323584xi32, #tpu.memory_space<hbm>> -> memref<128xi32, #tpu.memory_space<hbm>>
        tpu.enqueue_dma source(%dma_start3A_20 : memref<128xi32, #tpu.memory_space<hbm>>) target(%arg7 : memref<128xi32, #tpu.memory_space<vmem>>) target_semaphore(%run_scoped3A : memref<!tpu.dma_semaphore, #tpu.memory_space<semaphore_mem>>)
        %dma_wait3A_21 = tpu.memref_slice %arg3[%add3A_14] : memref<323584xi32, #tpu.memory_space<hbm>> -> memref<128xi32, #tpu.memory_space<hbm>>
        %dma_wait3A_22 = tpu.memref_slice %arg3[%add3A_14] : memref<323584xi32, #tpu.memory_space<hbm>> -> memref<128xi32, #tpu.memory_space<hbm>>
        tpu.wait_dma2 semaphore(%run_scoped3A : memref<!tpu.dma_semaphore, #tpu.memory_space<semaphore_mem>>) src(%dma_wait3A_22 : memref<128xi32, #tpu.memory_space<hbm>>) dst(%arg7 : memref<128xi32, #tpu.memory_space<vmem>>)
        tpu.yield
      }) : () -> ()
      "tpu.region"() ({
        %run_scoped3A = tpu.sem_alloc : memref<!tpu.dma_semaphore, #tpu.memory_space<semaphore_mem>>
        %dma_start3A_19 = tpu.memref_slice %arg4[%add3A_14] : memref<323584xi32, #tpu.memory_space<hbm>> -> memref<128xi32, #tpu.memory_space<hbm>>
        %dma_start3A_20 = tpu.memref_slice %arg4[%add3A_14] : memref<323584xi32, #tpu.memory_space<hbm>> -> memref<128xi32, #tpu.memory_space<hbm>>
        tpu.enqueue_dma source(%dma_start3A_20 : memref<128xi32, #tpu.memory_space<hbm>>) target(%arg8 : memref<128xi32, #tpu.memory_space<vmem>>) target_semaphore(%run_scoped3A : memref<!tpu.dma_semaphore, #tpu.memory_space<semaphore_mem>>)
        %dma_wait3A_21 = tpu.memref_slice %arg4[%add3A_14] : memref<323584xi32, #tpu.memory_space<hbm>> -> memref<128xi32, #tpu.memory_space<hbm>>
        %dma_wait3A_22 = tpu.memref_slice %arg4[%add3A_14] : memref<323584xi32, #tpu.memory_space<hbm>> -> memref<128xi32, #tpu.memory_space<hbm>>
        tpu.wait_dma2 semaphore(%run_scoped3A : memref<!tpu.dma_semaphore, #tpu.memory_space<semaphore_mem>>) src(%dma_wait3A_22 : memref<128xi32, #tpu.memory_space<hbm>>) dst(%arg8 : memref<128xi32, #tpu.memory_space<vmem>>)
        tpu.yield
      }) : () -> ()
      %dma_start3A = arith.constant 0 : i32
      %dma_start3A_15 = arith.constant 0 : i32
      %dma_start3A_16 = tpu.memref_slice %arg2[%dma_start3A, %dma_start3A_15] : memref<10000x128xf32, #tpu.memory_space<hbm>> -> memref<10000x128xf32, #tpu.memory_space<hbm>>
      tpu.enqueue_indirect_dma source(%dma_start3A_16 : memref<10000x128xf32, #tpu.memory_space<hbm>>) target(%arg9 : memref<128x128xf32, #tpu.memory_space<vmem>>) offsets(%arg7 : memref<128xi32, #tpu.memory_space<vmem>>) semaphore(%arg11 : memref<!tpu.dma_semaphore, #tpu.memory_space<semaphore_mem>>)
      %dma_wait3A = arith.constant 0 : i32
      %dma_wait3A_17 = arith.constant 0 : i32
      %dma_wait3A_18 = tpu.memref_slice %arg2[%dma_wait3A, %dma_wait3A_17] : memref<10000x128xf32, #tpu.memory_space<hbm>> -> memref<10000x128xf32, #tpu.memory_space<hbm>>
      tpu.wait_indirect_dma semaphore(%arg11 : memref<!tpu.dma_semaphore, #tpu.memory_space<semaphore_mem>>) src(%dma_wait3A_18 : memref<10000x128xf32, #tpu.memory_space<hbm>>) dst(%arg9 : memref<128x128xf32, #tpu.memory_space<vmem>>)
      "tpu.region"() ({
        %run_scoped3A = tpu.sem_alloc : memref<!tpu.dma_semaphore, #tpu.memory_space<semaphore_mem>>
        %dma_start3A_19 = arith.constant 0 : i32
        %dma_start3A_20 = arith.constant 0 : i32
        %dma_start3A_21 = tpu.memref_slice %arg10[%dma_start3A_19, %dma_start3A_20] : memref<10112x128xf32, #tpu.memory_space<vmem_shared>> -> memref<10112x128xf32, #tpu.memory_space<vmem_shared>>
        tpu.enqueue_indirect_dma source(%arg9 : memref<128x128xf32, #tpu.memory_space<vmem>>) target(%dma_start3A_21 : memref<10112x128xf32, #tpu.memory_space<vmem_shared>>) offsets(%arg8 : memref<128xi32, #tpu.memory_space<vmem>>) semaphore(%run_scoped3A : memref<!tpu.dma_semaphore, #tpu.memory_space<semaphore_mem>>) {add = true}
        %dma_wait3A_22 = arith.constant 0 : i32
        %dma_wait3A_23 = arith.constant 0 : i32
        %dma_wait3A_24 = tpu.memref_slice %arg10[%dma_wait3A_22, %dma_wait3A_23] : memref<10112x128xf32, #tpu.memory_space<vmem_shared>> -> memref<10112x128xf32, #tpu.memory_space<vmem_shared>>
        tpu.wait_indirect_dma semaphore(%run_scoped3A : memref<!tpu.dma_semaphore, #tpu.memory_space<semaphore_mem>>) src(%arg9 : memref<128x128xf32, #tpu.memory_space<vmem>>) dst(%dma_wait3A_24 : memref<10112x128xf32, #tpu.memory_space<vmem_shared>>)
        tpu.yield
      }) : () -> ()
    }
    %scan3A_9 = arith.constant 79 : i32
    %barrier3A_10 = arith.constant 0 : index
    tpu.barrier barrier_id(%barrier3A_10)
    "tpu.region"() ({
      %run_scoped3A = tpu.sem_alloc : memref<!tpu.dma_semaphore, #tpu.memory_space<semaphore_mem>>
      %dma_start3A = arith.constant 0 : i32
      %dma_start3A_11 = tpu.memref_slice %arg6[%arg0, %mul3A_2, %dma_start3A] : memref<2x10112x128xf32, #tpu.memory_space<hbm>> -> memref<1x632x128xf32, #tpu.memory_space<hbm>>
      %dma_start3A_12 = tpu.memref_squeeze %dma_start3A_11 : memref<1x632x128xf32, #tpu.memory_space<hbm>> -> memref<632x128xf32, #tpu.memory_space<hbm>>
      %dma_start3A_13 = arith.constant 0 : i32
      %dma_start3A_14 = tpu.memref_slice %arg10[%mul3A_2, %dma_start3A_13] : memref<10112x128xf32, #tpu.memory_space<vmem_shared>> -> memref<632x128xf32, #tpu.memory_space<vmem_shared>>
      tpu.enqueue_dma source(%dma_start3A_14 : memref<632x128xf32, #tpu.memory_space<vmem_shared>>) target(%dma_start3A_12 : memref<632x128xf32, #tpu.memory_space<hbm>>) target_semaphore(%run_scoped3A : memref<!tpu.dma_semaphore, #tpu.memory_space<semaphore_mem>>)
      %dma_wait3A = arith.constant 0 : i32
      %dma_wait3A_15 = tpu.memref_slice %arg6[%arg0, %mul3A_2, %dma_wait3A] : memref<2x10112x128xf32, #tpu.memory_space<hbm>> -> memref<1x632x128xf32, #tpu.memory_space<hbm>>
      %dma_wait3A_16 = tpu.memref_squeeze %dma_wait3A_15 : memref<1x632x128xf32, #tpu.memory_space<hbm>> -> memref<632x128xf32, #tpu.memory_space<hbm>>
      %dma_wait3A_17 = arith.constant 0 : i32
      %dma_wait3A_18 = tpu.memref_slice %arg10[%mul3A_2, %dma_wait3A_17] : memref<10112x128xf32, #tpu.memory_space<vmem_shared>> -> memref<632x128xf32, #tpu.memory_space<vmem_shared>>
      tpu.wait_dma2 semaphore(%run_scoped3A : memref<!tpu.dma_semaphore, #tpu.memory_space<semaphore_mem>>) src(%dma_wait3A_18 : memref<632x128xf32, #tpu.memory_space<vmem_shared>>) dst(%dma_wait3A_16 : memref<632x128xf32, #tpu.memory_space<hbm>>)
      tpu.yield
    }) : () -> ()
    return
  }
}

#map = affine_map<(d0, d1) -> (0)>
#map1 = affine_map<(d0, d1) -> (0, 0)>
#map2 = affine_map<(d0, d1) -> (0, 0, 0)>
module attributes {stable_mosaic.version = 14 : i64} {
  func.func @deg_kernel(%arg0: i32, %arg1: i32, %arg2: memref<323584xi32, #tpu.memory_space<hbm>>, %arg3: memref<10112x128xf32, #tpu.memory_space<hbm>>, %arg4: memref<128x128xf32, #tpu.memory_space<hbm>>, %arg5: memref<2x10112x128xf32, #tpu.memory_space<hbm>>, %arg6: memref<128xi32, #tpu.memory_space<vmem>>, %arg7: memref<128x128xf32, #tpu.memory_space<vmem>>, %arg8: memref<10112x128xf32, #tpu.memory_space<vmem_shared>>) attributes {dimension_semantics = [#tpu.dimension_semantics<core_parallel>, #tpu.dimension_semantics<subcore_parallel>], iteration_bounds = array<i64: 2, 16>, scalar_prefetch = 0 : i64, scratch_operands = 3 : i64, tpu.core_type = #tpu.core_type<sc_vector_subcore>, window_params = [{transform_indices = #map}, {transform_indices = #map1}, {transform_indices = #map1}, {transform_indices = #map2}]} {
    %mul3A = arith.constant 2 : i32
    %mul3A_0 = arith.muli %arg1, %mul3A : i32
    %add3A = arith.addi %mul3A_0, %arg0 : i32
    %mul3A_1 = arith.constant 632 : i32
    %mul3A_2 = arith.muli %arg1, %mul3A_1 : i32
    "tpu.region"() ({
      %run_scoped3A = tpu.sem_alloc : memref<!tpu.dma_semaphore, #tpu.memory_space<semaphore_mem>>
      %dma_start3A = arith.constant 0 : i32
      %dma_start3A_11 = tpu.memref_slice %arg8[%mul3A_2, %dma_start3A] : memref<10112x128xf32, #tpu.memory_space<vmem_shared>> -> memref<632x128xf32, #tpu.memory_space<vmem_shared>>
      %dma_start3A_12 = arith.constant 0 : i32
      %dma_start3A_13 = tpu.memref_slice %arg3[%mul3A_2, %dma_start3A_12] : memref<10112x128xf32, #tpu.memory_space<hbm>> -> memref<632x128xf32, #tpu.memory_space<hbm>>
      tpu.enqueue_dma source(%dma_start3A_13 : memref<632x128xf32, #tpu.memory_space<hbm>>) target(%dma_start3A_11 : memref<632x128xf32, #tpu.memory_space<vmem_shared>>) target_semaphore(%run_scoped3A : memref<!tpu.dma_semaphore, #tpu.memory_space<semaphore_mem>>)
      %dma_wait3A = arith.constant 0 : i32
      %dma_wait3A_14 = tpu.memref_slice %arg8[%mul3A_2, %dma_wait3A] : memref<10112x128xf32, #tpu.memory_space<vmem_shared>> -> memref<632x128xf32, #tpu.memory_space<vmem_shared>>
      %dma_wait3A_15 = arith.constant 0 : i32
      %dma_wait3A_16 = tpu.memref_slice %arg3[%mul3A_2, %dma_wait3A_15] : memref<10112x128xf32, #tpu.memory_space<hbm>> -> memref<632x128xf32, #tpu.memory_space<hbm>>
      tpu.wait_dma2 semaphore(%run_scoped3A : memref<!tpu.dma_semaphore, #tpu.memory_space<semaphore_mem>>) src(%dma_wait3A_16 : memref<632x128xf32, #tpu.memory_space<hbm>>) dst(%dma_wait3A_14 : memref<632x128xf32, #tpu.memory_space<vmem_shared>>)
      tpu.yield
    }) : () -> ()
    "tpu.region"() ({
      %run_scoped3A = tpu.sem_alloc : memref<!tpu.dma_semaphore, #tpu.memory_space<semaphore_mem>>
      tpu.enqueue_dma source(%arg4 : memref<128x128xf32, #tpu.memory_space<hbm>>) target(%arg7 : memref<128x128xf32, #tpu.memory_space<vmem>>) target_semaphore(%run_scoped3A : memref<!tpu.dma_semaphore, #tpu.memory_space<semaphore_mem>>)
      tpu.wait_dma2 semaphore(%run_scoped3A : memref<!tpu.dma_semaphore, #tpu.memory_space<semaphore_mem>>) src(%arg4 : memref<128x128xf32, #tpu.memory_space<hbm>>) dst(%arg7 : memref<128x128xf32, #tpu.memory_space<vmem>>)
      tpu.yield
    }) : () -> ()
    %barrier3A = arith.constant 0 : index
    tpu.barrier barrier_id(%barrier3A)
    %mul3A_3 = arith.constant 10112 : i32
    %mul3A_4 = arith.muli %add3A, %mul3A_3 : i32
    %scan3A = arith.constant 0 : i32
    %scan3A_5 = arith.constant 0 : i32
    %scan3A_6 = arith.constant 79 : i32
    %scan3A_7 = arith.addi %scan3A_5, %scan3A_6 : i32
    %scan3A_8 = arith.constant 1 : i32
    scf.for %scan3A_11 = %scan3A_5 to %scan3A_7 step %scan3A_8  : i32 {
      %mul3A_12 = arith.constant 128 : i32
      %mul3A_13 = arith.muli %scan3A_11, %mul3A_12 : i32
      %add3A_14 = arith.addi %mul3A_4, %mul3A_13 : i32
      "tpu.region"() ({
        %run_scoped3A = tpu.sem_alloc : memref<!tpu.dma_semaphore, #tpu.memory_space<semaphore_mem>>
        %dma_start3A = tpu.memref_slice %arg2[%add3A_14] : memref<323584xi32, #tpu.memory_space<hbm>> -> memref<128xi32, #tpu.memory_space<hbm>>
        %dma_start3A_15 = tpu.memref_slice %arg2[%add3A_14] : memref<323584xi32, #tpu.memory_space<hbm>> -> memref<128xi32, #tpu.memory_space<hbm>>
        tpu.enqueue_dma source(%dma_start3A_15 : memref<128xi32, #tpu.memory_space<hbm>>) target(%arg6 : memref<128xi32, #tpu.memory_space<vmem>>) target_semaphore(%run_scoped3A : memref<!tpu.dma_semaphore, #tpu.memory_space<semaphore_mem>>)
        %dma_wait3A = tpu.memref_slice %arg2[%add3A_14] : memref<323584xi32, #tpu.memory_space<hbm>> -> memref<128xi32, #tpu.memory_space<hbm>>
        %dma_wait3A_16 = tpu.memref_slice %arg2[%add3A_14] : memref<323584xi32, #tpu.memory_space<hbm>> -> memref<128xi32, #tpu.memory_space<hbm>>
        tpu.wait_dma2 semaphore(%run_scoped3A : memref<!tpu.dma_semaphore, #tpu.memory_space<semaphore_mem>>) src(%dma_wait3A_16 : memref<128xi32, #tpu.memory_space<hbm>>) dst(%arg6 : memref<128xi32, #tpu.memory_space<vmem>>)
        tpu.yield
      }) : () -> ()
      "tpu.region"() ({
        %run_scoped3A = tpu.sem_alloc : memref<!tpu.dma_semaphore, #tpu.memory_space<semaphore_mem>>
        %dma_start3A = arith.constant 0 : i32
        %dma_start3A_15 = arith.constant 0 : i32
        %dma_start3A_16 = tpu.memref_slice %arg8[%dma_start3A, %dma_start3A_15] : memref<10112x128xf32, #tpu.memory_space<vmem_shared>> -> memref<10112x128xf32, #tpu.memory_space<vmem_shared>>
        tpu.enqueue_indirect_dma source(%arg7 : memref<128x128xf32, #tpu.memory_space<vmem>>) target(%dma_start3A_16 : memref<10112x128xf32, #tpu.memory_space<vmem_shared>>) offsets(%arg6 : memref<128xi32, #tpu.memory_space<vmem>>) semaphore(%run_scoped3A : memref<!tpu.dma_semaphore, #tpu.memory_space<semaphore_mem>>) {add = true}
        %dma_wait3A = arith.constant 0 : i32
        %dma_wait3A_17 = arith.constant 0 : i32
        %dma_wait3A_18 = tpu.memref_slice %arg8[%dma_wait3A, %dma_wait3A_17] : memref<10112x128xf32, #tpu.memory_space<vmem_shared>> -> memref<10112x128xf32, #tpu.memory_space<vmem_shared>>
        tpu.wait_indirect_dma semaphore(%run_scoped3A : memref<!tpu.dma_semaphore, #tpu.memory_space<semaphore_mem>>) src(%arg7 : memref<128x128xf32, #tpu.memory_space<vmem>>) dst(%dma_wait3A_18 : memref<10112x128xf32, #tpu.memory_space<vmem_shared>>)
        tpu.yield
      }) : () -> ()
    }
    %scan3A_9 = arith.constant 79 : i32
    %barrier3A_10 = arith.constant 0 : index
    tpu.barrier barrier_id(%barrier3A_10)
    "tpu.region"() ({
      %run_scoped3A = tpu.sem_alloc : memref<!tpu.dma_semaphore, #tpu.memory_space<semaphore_mem>>
      %dma_start3A = arith.constant 0 : i32
      %dma_start3A_11 = tpu.memref_slice %arg5[%arg0, %mul3A_2, %dma_start3A] : memref<2x10112x128xf32, #tpu.memory_space<hbm>> -> memref<1x632x128xf32, #tpu.memory_space<hbm>>
      %dma_start3A_12 = tpu.memref_squeeze %dma_start3A_11 : memref<1x632x128xf32, #tpu.memory_space<hbm>> -> memref<632x128xf32, #tpu.memory_space<hbm>>
      %dma_start3A_13 = arith.constant 0 : i32
      %dma_start3A_14 = tpu.memref_slice %arg8[%mul3A_2, %dma_start3A_13] : memref<10112x128xf32, #tpu.memory_space<vmem_shared>> -> memref<632x128xf32, #tpu.memory_space<vmem_shared>>
      tpu.enqueue_dma source(%dma_start3A_14 : memref<632x128xf32, #tpu.memory_space<vmem_shared>>) target(%dma_start3A_12 : memref<632x128xf32, #tpu.memory_space<hbm>>) target_semaphore(%run_scoped3A : memref<!tpu.dma_semaphore, #tpu.memory_space<semaphore_mem>>)
      %dma_wait3A = arith.constant 0 : i32
      %dma_wait3A_15 = tpu.memref_slice %arg5[%arg0, %mul3A_2, %dma_wait3A] : memref<2x10112x128xf32, #tpu.memory_space<hbm>> -> memref<1x632x128xf32, #tpu.memory_space<hbm>>
      %dma_wait3A_16 = tpu.memref_squeeze %dma_wait3A_15 : memref<1x632x128xf32, #tpu.memory_space<hbm>> -> memref<632x128xf32, #tpu.memory_space<hbm>>
      %dma_wait3A_17 = arith.constant 0 : i32
      %dma_wait3A_18 = tpu.memref_slice %arg8[%mul3A_2, %dma_wait3A_17] : memref<10112x128xf32, #tpu.memory_space<vmem_shared>> -> memref<632x128xf32, #tpu.memory_space<vmem_shared>>
      tpu.wait_dma2 semaphore(%run_scoped3A : memref<!tpu.dma_semaphore, #tpu.memory_space<semaphore_mem>>) src(%dma_wait3A_18 : memref<632x128xf32, #tpu.memory_space<vmem_shared>>) dst(%dma_wait3A_16 : memref<632x128xf32, #tpu.memory_space<hbm>>)
      tpu.yield
    }) : () -> ()
    return
  }
}

#map = affine_map<(d0, d1) -> (0, 0)>
#map1 = affine_map<(d0, d1) -> (0)>
#map2 = affine_map<(d0, d1) -> (0, 0, 0)>
module attributes {stable_mosaic.version = 14 : i64} {
  func.func @agg_kernel(%arg0: i32, %arg1: i32, %arg2: memref<10000x128xf32, #tpu.memory_space<hbm>>, %arg3: memref<323584xi32, #tpu.memory_space<hbm>>, %arg4: memref<323584xi32, #tpu.memory_space<hbm>>, %arg5: memref<10112x128xf32, #tpu.memory_space<hbm>>, %arg6: memref<2x10112x128xf32, #tpu.memory_space<hbm>>, %arg7: memref<128xi32, #tpu.memory_space<vmem>>, %arg8: memref<128xi32, #tpu.memory_space<vmem>>, %arg9: memref<128x128xf32, #tpu.memory_space<vmem>>, %arg10: memref<10112x128xf32, #tpu.memory_space<vmem_shared>>, %arg11: memref<!tpu.dma_semaphore, #tpu.memory_space<semaphore_mem>>) attributes {dimension_semantics = [#tpu.dimension_semantics<core_parallel>, #tpu.dimension_semantics<subcore_parallel>], iteration_bounds = array<i64: 2, 16>, scalar_prefetch = 0 : i64, scratch_operands = 5 : i64, tpu.core_type = #tpu.core_type<sc_vector_subcore>, window_params = [{transform_indices = #map}, {transform_indices = #map1}, {transform_indices = #map1}, {transform_indices = #map}, {transform_indices = #map2}]} {
    %mul3A = arith.constant 2 : i32
    %mul3A_0 = arith.muli %arg1, %mul3A : i32
    %add3A = arith.addi %mul3A_0, %arg0 : i32
    %mul3A_1 = arith.constant 632 : i32
    %mul3A_2 = arith.muli %arg1, %mul3A_1 : i32
    "tpu.region"() ({
      %run_scoped3A = tpu.sem_alloc : memref<!tpu.dma_semaphore, #tpu.memory_space<semaphore_mem>>
      %dma_start3A = arith.constant 0 : i32
      %dma_start3A_11 = tpu.memref_slice %arg10[%mul3A_2, %dma_start3A] : memref<10112x128xf32, #tpu.memory_space<vmem_shared>> -> memref<632x128xf32, #tpu.memory_space<vmem_shared>>
      %dma_start3A_12 = arith.constant 0 : i32
      %dma_start3A_13 = tpu.memref_slice %arg5[%mul3A_2, %dma_start3A_12] : memref<10112x128xf32, #tpu.memory_space<hbm>> -> memref<632x128xf32, #tpu.memory_space<hbm>>
      tpu.enqueue_dma source(%dma_start3A_13 : memref<632x128xf32, #tpu.memory_space<hbm>>) target(%dma_start3A_11 : memref<632x128xf32, #tpu.memory_space<vmem_shared>>) target_semaphore(%run_scoped3A : memref<!tpu.dma_semaphore, #tpu.memory_space<semaphore_mem>>)
      %dma_wait3A = arith.constant 0 : i32
      %dma_wait3A_14 = tpu.memref_slice %arg10[%mul3A_2, %dma_wait3A] : memref<10112x128xf32, #tpu.memory_space<vmem_shared>> -> memref<632x128xf32, #tpu.memory_space<vmem_shared>>
      %dma_wait3A_15 = arith.constant 0 : i32
      %dma_wait3A_16 = tpu.memref_slice %arg5[%mul3A_2, %dma_wait3A_15] : memref<10112x128xf32, #tpu.memory_space<hbm>> -> memref<632x128xf32, #tpu.memory_space<hbm>>
      tpu.wait_dma2 semaphore(%run_scoped3A : memref<!tpu.dma_semaphore, #tpu.memory_space<semaphore_mem>>) src(%dma_wait3A_16 : memref<632x128xf32, #tpu.memory_space<hbm>>) dst(%dma_wait3A_14 : memref<632x128xf32, #tpu.memory_space<vmem_shared>>)
      tpu.yield
    }) : () -> ()
    %barrier3A = arith.constant 0 : index
    tpu.barrier barrier_id(%barrier3A)
    %mul3A_3 = arith.constant 10112 : i32
    %mul3A_4 = arith.muli %add3A, %mul3A_3 : i32
    %scan3A = arith.constant 0 : i32
    %scan3A_5 = arith.constant 0 : i32
    %scan3A_6 = arith.constant 79 : i32
    %scan3A_7 = arith.addi %scan3A_5, %scan3A_6 : i32
    %scan3A_8 = arith.constant 1 : i32
    scf.for %scan3A_11 = %scan3A_5 to %scan3A_7 step %scan3A_8  : i32 {
      %mul3A_12 = arith.constant 128 : i32
      %mul3A_13 = arith.muli %scan3A_11, %mul3A_12 : i32
      %add3A_14 = arith.addi %mul3A_4, %mul3A_13 : i32
      "tpu.region"() ({
        %run_scoped3A = tpu.sem_alloc : memref<!tpu.dma_semaphore, #tpu.memory_space<semaphore_mem>>
        %dma_start3A_19 = tpu.memref_slice %arg3[%add3A_14] : memref<323584xi32, #tpu.memory_space<hbm>> -> memref<128xi32, #tpu.memory_space<hbm>>
        %dma_start3A_20 = tpu.memref_slice %arg3[%add3A_14] : memref<323584xi32, #tpu.memory_space<hbm>> -> memref<128xi32, #tpu.memory_space<hbm>>
        tpu.enqueue_dma source(%dma_start3A_20 : memref<128xi32, #tpu.memory_space<hbm>>) target(%arg7 : memref<128xi32, #tpu.memory_space<vmem>>) target_semaphore(%run_scoped3A : memref<!tpu.dma_semaphore, #tpu.memory_space<semaphore_mem>>)
        %dma_wait3A_21 = tpu.memref_slice %arg3[%add3A_14] : memref<323584xi32, #tpu.memory_space<hbm>> -> memref<128xi32, #tpu.memory_space<hbm>>
        %dma_wait3A_22 = tpu.memref_slice %arg3[%add3A_14] : memref<323584xi32, #tpu.memory_space<hbm>> -> memref<128xi32, #tpu.memory_space<hbm>>
        tpu.wait_dma2 semaphore(%run_scoped3A : memref<!tpu.dma_semaphore, #tpu.memory_space<semaphore_mem>>) src(%dma_wait3A_22 : memref<128xi32, #tpu.memory_space<hbm>>) dst(%arg7 : memref<128xi32, #tpu.memory_space<vmem>>)
        tpu.yield
      }) : () -> ()
      "tpu.region"() ({
        %run_scoped3A = tpu.sem_alloc : memref<!tpu.dma_semaphore, #tpu.memory_space<semaphore_mem>>
        %dma_start3A_19 = tpu.memref_slice %arg4[%add3A_14] : memref<323584xi32, #tpu.memory_space<hbm>> -> memref<128xi32, #tpu.memory_space<hbm>>
        %dma_start3A_20 = tpu.memref_slice %arg4[%add3A_14] : memref<323584xi32, #tpu.memory_space<hbm>> -> memref<128xi32, #tpu.memory_space<hbm>>
        tpu.enqueue_dma source(%dma_start3A_20 : memref<128xi32, #tpu.memory_space<hbm>>) target(%arg8 : memref<128xi32, #tpu.memory_space<vmem>>) target_semaphore(%run_scoped3A : memref<!tpu.dma_semaphore, #tpu.memory_space<semaphore_mem>>)
        %dma_wait3A_21 = tpu.memref_slice %arg4[%add3A_14] : memref<323584xi32, #tpu.memory_space<hbm>> -> memref<128xi32, #tpu.memory_space<hbm>>
        %dma_wait3A_22 = tpu.memref_slice %arg4[%add3A_14] : memref<323584xi32, #tpu.memory_space<hbm>> -> memref<128xi32, #tpu.memory_space<hbm>>
        tpu.wait_dma2 semaphore(%run_scoped3A : memref<!tpu.dma_semaphore, #tpu.memory_space<semaphore_mem>>) src(%dma_wait3A_22 : memref<128xi32, #tpu.memory_space<hbm>>) dst(%arg8 : memref<128xi32, #tpu.memory_space<vmem>>)
        tpu.yield
      }) : () -> ()
      %dma_start3A = arith.constant 0 : i32
      %dma_start3A_15 = arith.constant 0 : i32
      %dma_start3A_16 = tpu.memref_slice %arg2[%dma_start3A, %dma_start3A_15] : memref<10000x128xf32, #tpu.memory_space<hbm>> -> memref<10000x128xf32, #tpu.memory_space<hbm>>
      tpu.enqueue_indirect_dma source(%dma_start3A_16 : memref<10000x128xf32, #tpu.memory_space<hbm>>) target(%arg9 : memref<128x128xf32, #tpu.memory_space<vmem>>) offsets(%arg7 : memref<128xi32, #tpu.memory_space<vmem>>) semaphore(%arg11 : memref<!tpu.dma_semaphore, #tpu.memory_space<semaphore_mem>>)
      %dma_wait3A = arith.constant 0 : i32
      %dma_wait3A_17 = arith.constant 0 : i32
      %dma_wait3A_18 = tpu.memref_slice %arg2[%dma_wait3A, %dma_wait3A_17] : memref<10000x128xf32, #tpu.memory_space<hbm>> -> memref<10000x128xf32, #tpu.memory_space<hbm>>
      tpu.wait_indirect_dma semaphore(%arg11 : memref<!tpu.dma_semaphore, #tpu.memory_space<semaphore_mem>>) src(%dma_wait3A_18 : memref<10000x128xf32, #tpu.memory_space<hbm>>) dst(%arg9 : memref<128x128xf32, #tpu.memory_space<vmem>>)
      "tpu.region"() ({
        %run_scoped3A = tpu.sem_alloc : memref<!tpu.dma_semaphore, #tpu.memory_space<semaphore_mem>>
        %dma_start3A_19 = arith.constant 0 : i32
        %dma_start3A_20 = arith.constant 0 : i32
        %dma_start3A_21 = tpu.memref_slice %arg10[%dma_start3A_19, %dma_start3A_20] : memref<10112x128xf32, #tpu.memory_space<vmem_shared>> -> memref<10112x128xf32, #tpu.memory_space<vmem_shared>>
        tpu.enqueue_indirect_dma source(%arg9 : memref<128x128xf32, #tpu.memory_space<vmem>>) target(%dma_start3A_21 : memref<10112x128xf32, #tpu.memory_space<vmem_shared>>) offsets(%arg8 : memref<128xi32, #tpu.memory_space<vmem>>) semaphore(%run_scoped3A : memref<!tpu.dma_semaphore, #tpu.memory_space<semaphore_mem>>) {add = true}
        %dma_wait3A_22 = arith.constant 0 : i32
        %dma_wait3A_23 = arith.constant 0 : i32
        %dma_wait3A_24 = tpu.memref_slice %arg10[%dma_wait3A_22, %dma_wait3A_23] : memref<10112x128xf32, #tpu.memory_space<vmem_shared>> -> memref<10112x128xf32, #tpu.memory_space<vmem_shared>>
        tpu.wait_indirect_dma semaphore(%run_scoped3A : memref<!tpu.dma_semaphore, #tpu.memory_space<semaphore_mem>>) src(%arg9 : memref<128x128xf32, #tpu.memory_space<vmem>>) dst(%dma_wait3A_24 : memref<10112x128xf32, #tpu.memory_space<vmem_shared>>)
        tpu.yield
      }) : () -> ()
    }
    %scan3A_9 = arith.constant 79 : i32
    %barrier3A_10 = arith.constant 0 : index
    tpu.barrier barrier_id(%barrier3A_10)
    "tpu.region"() ({
      %run_scoped3A = tpu.sem_alloc : memref<!tpu.dma_semaphore, #tpu.memory_space<semaphore_mem>>
      %dma_start3A = arith.constant 0 : i32
      %dma_start3A_11 = tpu.memref_slice %arg6[%arg0, %mul3A_2, %dma_start3A] : memref<2x10112x128xf32, #tpu.memory_space<hbm>> -> memref<1x632x128xf32, #tpu.memory_space<hbm>>
      %dma_start3A_12 = tpu.memref_squeeze %dma_start3A_11 : memref<1x632x128xf32, #tpu.memory_space<hbm>> -> memref<632x128xf32, #tpu.memory_space<hbm>>
      %dma_start3A_13 = arith.constant 0 : i32
      %dma_start3A_14 = tpu.memref_slice %arg10[%mul3A_2, %dma_start3A_13] : memref<10112x128xf32, #tpu.memory_space<vmem_shared>> -> memref<632x128xf32, #tpu.memory_space<vmem_shared>>
      tpu.enqueue_dma source(%dma_start3A_14 : memref<632x128xf32, #tpu.memory_space<vmem_shared>>) target(%dma_start3A_12 : memref<632x128xf32, #tpu.memory_space<hbm>>) target_semaphore(%run_scoped3A : memref<!tpu.dma_semaphore, #tpu.memory_space<semaphore_mem>>)
      %dma_wait3A = arith.constant 0 : i32
      %dma_wait3A_15 = tpu.memref_slice %arg6[%arg0, %mul3A_2, %dma_wait3A] : memref<2x10112x128xf32, #tpu.memory_space<hbm>> -> memref<1x632x128xf32, #tpu.memory_space<hbm>>
      %dma_wait3A_16 = tpu.memref_squeeze %dma_wait3A_15 : memref<1x632x128xf32, #tpu.memory_space<hbm>> -> memref<632x128xf32, #tpu.memory_space<hbm>>
      %dma_wait3A_17 = arith.constant 0 : i32
      %dma_wait3A_18 = tpu.memref_slice %arg10[%mul3A_2, %dma_wait3A_17] : memref<10112x128xf32, #tpu.memory_space<vmem_shared>> -> memref<632x128xf32, #tpu.memory_space<vmem_shared>>
      tpu.wait_dma2 semaphore(%run_scoped3A : memref<!tpu.dma_semaphore, #tpu.memory_space<semaphore_mem>>) src(%dma_wait3A_18 : memref<632x128xf32, #tpu.memory_space<vmem_shared>>) dst(%dma_wait3A_16 : memref<632x128xf32, #tpu.memory_space<hbm>>)
      tpu.yield
    }) : () -> ()
    return
  }
}

#map = affine_map<(d0, d1) -> (0, 0)>
#map1 = affine_map<(d0, d1) -> (0)>
#map2 = affine_map<(d0, d1) -> (0, 0, 0)>
module attributes {stable_mosaic.version = 14 : i64} {
  func.func @agg_kernel(%arg0: i32, %arg1: i32, %arg2: memref<10000x128xf32, #tpu.memory_space<hbm>>, %arg3: memref<323584xi32, #tpu.memory_space<hbm>>, %arg4: memref<323584xi32, #tpu.memory_space<hbm>>, %arg5: memref<10112x128xf32, #tpu.memory_space<hbm>>, %arg6: memref<2x10112x128xf32, #tpu.memory_space<hbm>>, %arg7: memref<128xi32, #tpu.memory_space<vmem>>, %arg8: memref<128xi32, #tpu.memory_space<vmem>>, %arg9: memref<128x128xf32, #tpu.memory_space<vmem>>, %arg10: memref<10112x128xf32, #tpu.memory_space<vmem_shared>>, %arg11: memref<!tpu.dma_semaphore, #tpu.memory_space<semaphore_mem>>) attributes {dimension_semantics = [#tpu.dimension_semantics<core_parallel>, #tpu.dimension_semantics<subcore_parallel>], iteration_bounds = array<i64: 2, 16>, scalar_prefetch = 0 : i64, scratch_operands = 5 : i64, tpu.core_type = #tpu.core_type<sc_vector_subcore>, window_params = [{transform_indices = #map}, {transform_indices = #map1}, {transform_indices = #map1}, {transform_indices = #map}, {transform_indices = #map2}]} {
    %mul3A = arith.constant 2 : i32
    %mul3A_0 = arith.muli %arg1, %mul3A : i32
    %add3A = arith.addi %mul3A_0, %arg0 : i32
    %mul3A_1 = arith.constant 632 : i32
    %mul3A_2 = arith.muli %arg1, %mul3A_1 : i32
    "tpu.region"() ({
      %run_scoped3A = tpu.sem_alloc : memref<!tpu.dma_semaphore, #tpu.memory_space<semaphore_mem>>
      %dma_start3A = arith.constant 0 : i32
      %dma_start3A_11 = tpu.memref_slice %arg10[%mul3A_2, %dma_start3A] : memref<10112x128xf32, #tpu.memory_space<vmem_shared>> -> memref<632x128xf32, #tpu.memory_space<vmem_shared>>
      %dma_start3A_12 = arith.constant 0 : i32
      %dma_start3A_13 = tpu.memref_slice %arg5[%mul3A_2, %dma_start3A_12] : memref<10112x128xf32, #tpu.memory_space<hbm>> -> memref<632x128xf32, #tpu.memory_space<hbm>>
      tpu.enqueue_dma source(%dma_start3A_13 : memref<632x128xf32, #tpu.memory_space<hbm>>) target(%dma_start3A_11 : memref<632x128xf32, #tpu.memory_space<vmem_shared>>) target_semaphore(%run_scoped3A : memref<!tpu.dma_semaphore, #tpu.memory_space<semaphore_mem>>)
      %dma_wait3A = arith.constant 0 : i32
      %dma_wait3A_14 = tpu.memref_slice %arg10[%mul3A_2, %dma_wait3A] : memref<10112x128xf32, #tpu.memory_space<vmem_shared>> -> memref<632x128xf32, #tpu.memory_space<vmem_shared>>
      %dma_wait3A_15 = arith.constant 0 : i32
      %dma_wait3A_16 = tpu.memref_slice %arg5[%mul3A_2, %dma_wait3A_15] : memref<10112x128xf32, #tpu.memory_space<hbm>> -> memref<632x128xf32, #tpu.memory_space<hbm>>
      tpu.wait_dma2 semaphore(%run_scoped3A : memref<!tpu.dma_semaphore, #tpu.memory_space<semaphore_mem>>) src(%dma_wait3A_16 : memref<632x128xf32, #tpu.memory_space<hbm>>) dst(%dma_wait3A_14 : memref<632x128xf32, #tpu.memory_space<vmem_shared>>)
      tpu.yield
    }) : () -> ()
    %barrier3A = arith.constant 0 : index
    tpu.barrier barrier_id(%barrier3A)
    %mul3A_3 = arith.constant 10112 : i32
    %mul3A_4 = arith.muli %add3A, %mul3A_3 : i32
    %scan3A = arith.constant 0 : i32
    %scan3A_5 = arith.constant 0 : i32
    %scan3A_6 = arith.constant 79 : i32
    %scan3A_7 = arith.addi %scan3A_5, %scan3A_6 : i32
    %scan3A_8 = arith.constant 1 : i32
    scf.for %scan3A_11 = %scan3A_5 to %scan3A_7 step %scan3A_8  : i32 {
      %mul3A_12 = arith.constant 128 : i32
      %mul3A_13 = arith.muli %scan3A_11, %mul3A_12 : i32
      %add3A_14 = arith.addi %mul3A_4, %mul3A_13 : i32
      "tpu.region"() ({
        %run_scoped3A = tpu.sem_alloc : memref<!tpu.dma_semaphore, #tpu.memory_space<semaphore_mem>>
        %dma_start3A_19 = tpu.memref_slice %arg3[%add3A_14] : memref<323584xi32, #tpu.memory_space<hbm>> -> memref<128xi32, #tpu.memory_space<hbm>>
        %dma_start3A_20 = tpu.memref_slice %arg3[%add3A_14] : memref<323584xi32, #tpu.memory_space<hbm>> -> memref<128xi32, #tpu.memory_space<hbm>>
        tpu.enqueue_dma source(%dma_start3A_20 : memref<128xi32, #tpu.memory_space<hbm>>) target(%arg7 : memref<128xi32, #tpu.memory_space<vmem>>) target_semaphore(%run_scoped3A : memref<!tpu.dma_semaphore, #tpu.memory_space<semaphore_mem>>)
        %dma_wait3A_21 = tpu.memref_slice %arg3[%add3A_14] : memref<323584xi32, #tpu.memory_space<hbm>> -> memref<128xi32, #tpu.memory_space<hbm>>
        %dma_wait3A_22 = tpu.memref_slice %arg3[%add3A_14] : memref<323584xi32, #tpu.memory_space<hbm>> -> memref<128xi32, #tpu.memory_space<hbm>>
        tpu.wait_dma2 semaphore(%run_scoped3A : memref<!tpu.dma_semaphore, #tpu.memory_space<semaphore_mem>>) src(%dma_wait3A_22 : memref<128xi32, #tpu.memory_space<hbm>>) dst(%arg7 : memref<128xi32, #tpu.memory_space<vmem>>)
        tpu.yield
      }) : () -> ()
      "tpu.region"() ({
        %run_scoped3A = tpu.sem_alloc : memref<!tpu.dma_semaphore, #tpu.memory_space<semaphore_mem>>
        %dma_start3A_19 = tpu.memref_slice %arg4[%add3A_14] : memref<323584xi32, #tpu.memory_space<hbm>> -> memref<128xi32, #tpu.memory_space<hbm>>
        %dma_start3A_20 = tpu.memref_slice %arg4[%add3A_14] : memref<323584xi32, #tpu.memory_space<hbm>> -> memref<128xi32, #tpu.memory_space<hbm>>
        tpu.enqueue_dma source(%dma_start3A_20 : memref<128xi32, #tpu.memory_space<hbm>>) target(%arg8 : memref<128xi32, #tpu.memory_space<vmem>>) target_semaphore(%run_scoped3A : memref<!tpu.dma_semaphore, #tpu.memory_space<semaphore_mem>>)
        %dma_wait3A_21 = tpu.memref_slice %arg4[%add3A_14] : memref<323584xi32, #tpu.memory_space<hbm>> -> memref<128xi32, #tpu.memory_space<hbm>>
        %dma_wait3A_22 = tpu.memref_slice %arg4[%add3A_14] : memref<323584xi32, #tpu.memory_space<hbm>> -> memref<128xi32, #tpu.memory_space<hbm>>
        tpu.wait_dma2 semaphore(%run_scoped3A : memref<!tpu.dma_semaphore, #tpu.memory_space<semaphore_mem>>) src(%dma_wait3A_22 : memref<128xi32, #tpu.memory_space<hbm>>) dst(%arg8 : memref<128xi32, #tpu.memory_space<vmem>>)
        tpu.yield
      }) : () -> ()
      %dma_start3A = arith.constant 0 : i32
      %dma_start3A_15 = arith.constant 0 : i32
      %dma_start3A_16 = tpu.memref_slice %arg2[%dma_start3A, %dma_start3A_15] : memref<10000x128xf32, #tpu.memory_space<hbm>> -> memref<10000x128xf32, #tpu.memory_space<hbm>>
      tpu.enqueue_indirect_dma source(%dma_start3A_16 : memref<10000x128xf32, #tpu.memory_space<hbm>>) target(%arg9 : memref<128x128xf32, #tpu.memory_space<vmem>>) offsets(%arg7 : memref<128xi32, #tpu.memory_space<vmem>>) semaphore(%arg11 : memref<!tpu.dma_semaphore, #tpu.memory_space<semaphore_mem>>)
      %dma_wait3A = arith.constant 0 : i32
      %dma_wait3A_17 = arith.constant 0 : i32
      %dma_wait3A_18 = tpu.memref_slice %arg2[%dma_wait3A, %dma_wait3A_17] : memref<10000x128xf32, #tpu.memory_space<hbm>> -> memref<10000x128xf32, #tpu.memory_space<hbm>>
      tpu.wait_indirect_dma semaphore(%arg11 : memref<!tpu.dma_semaphore, #tpu.memory_space<semaphore_mem>>) src(%dma_wait3A_18 : memref<10000x128xf32, #tpu.memory_space<hbm>>) dst(%arg9 : memref<128x128xf32, #tpu.memory_space<vmem>>)
      "tpu.region"() ({
        %run_scoped3A = tpu.sem_alloc : memref<!tpu.dma_semaphore, #tpu.memory_space<semaphore_mem>>
        %dma_start3A_19 = arith.constant 0 : i32
        %dma_start3A_20 = arith.constant 0 : i32
        %dma_start3A_21 = tpu.memref_slice %arg10[%dma_start3A_19, %dma_start3A_20] : memref<10112x128xf32, #tpu.memory_space<vmem_shared>> -> memref<10112x128xf32, #tpu.memory_space<vmem_shared>>
        tpu.enqueue_indirect_dma source(%arg9 : memref<128x128xf32, #tpu.memory_space<vmem>>) target(%dma_start3A_21 : memref<10112x128xf32, #tpu.memory_space<vmem_shared>>) offsets(%arg8 : memref<128xi32, #tpu.memory_space<vmem>>) semaphore(%run_scoped3A : memref<!tpu.dma_semaphore, #tpu.memory_space<semaphore_mem>>) {add = true}
        %dma_wait3A_22 = arith.constant 0 : i32
        %dma_wait3A_23 = arith.constant 0 : i32
        %dma_wait3A_24 = tpu.memref_slice %arg10[%dma_wait3A_22, %dma_wait3A_23] : memref<10112x128xf32, #tpu.memory_space<vmem_shared>> -> memref<10112x128xf32, #tpu.memory_space<vmem_shared>>
        tpu.wait_indirect_dma semaphore(%run_scoped3A : memref<!tpu.dma_semaphore, #tpu.memory_space<semaphore_mem>>) src(%arg9 : memref<128x128xf32, #tpu.memory_space<vmem>>) dst(%dma_wait3A_24 : memref<10112x128xf32, #tpu.memory_space<vmem_shared>>)
        tpu.yield
      }) : () -> ()
    }
    %scan3A_9 = arith.constant 79 : i32
    %barrier3A_10 = arith.constant 0 : index
    tpu.barrier barrier_id(%barrier3A_10)
    "tpu.region"() ({
      %run_scoped3A = tpu.sem_alloc : memref<!tpu.dma_semaphore, #tpu.memory_space<semaphore_mem>>
      %dma_start3A = arith.constant 0 : i32
      %dma_start3A_11 = tpu.memref_slice %arg6[%arg0, %mul3A_2, %dma_start3A] : memref<2x10112x128xf32, #tpu.memory_space<hbm>> -> memref<1x632x128xf32, #tpu.memory_space<hbm>>
      %dma_start3A_12 = tpu.memref_squeeze %dma_start3A_11 : memref<1x632x128xf32, #tpu.memory_space<hbm>> -> memref<632x128xf32, #tpu.memory_space<hbm>>
      %dma_start3A_13 = arith.constant 0 : i32
      %dma_start3A_14 = tpu.memref_slice %arg10[%mul3A_2, %dma_start3A_13] : memref<10112x128xf32, #tpu.memory_space<vmem_shared>> -> memref<632x128xf32, #tpu.memory_space<vmem_shared>>
      tpu.enqueue_dma source(%dma_start3A_14 : memref<632x128xf32, #tpu.memory_space<vmem_shared>>) target(%dma_start3A_12 : memref<632x128xf32, #tpu.memory_space<hbm>>) target_semaphore(%run_scoped3A : memref<!tpu.dma_semaphore, #tpu.memory_space<semaphore_mem>>)
      %dma_wait3A = arith.constant 0 : i32
      %dma_wait3A_15 = tpu.memref_slice %arg6[%arg0, %mul3A_2, %dma_wait3A] : memref<2x10112x128xf32, #tpu.memory_space<hbm>> -> memref<1x632x128xf32, #tpu.memory_space<hbm>>
      %dma_wait3A_16 = tpu.memref_squeeze %dma_wait3A_15 : memref<1x632x128xf32, #tpu.memory_space<hbm>> -> memref<632x128xf32, #tpu.memory_space<hbm>>
      %dma_wait3A_17 = arith.constant 0 : i32
      %dma_wait3A_18 = tpu.memref_slice %arg10[%mul3A_2, %dma_wait3A_17] : memref<10112x128xf32, #tpu.memory_space<vmem_shared>> -> memref<632x128xf32, #tpu.memory_space<vmem_shared>>
      tpu.wait_dma2 semaphore(%run_scoped3A : memref<!tpu.dma_semaphore, #tpu.memory_space<semaphore_mem>>) src(%dma_wait3A_18 : memref<632x128xf32, #tpu.memory_space<vmem_shared>>) dst(%dma_wait3A_16 : memref<632x128xf32, #tpu.memory_space<hbm>>)
      tpu.yield
    }) : () -> ()
    return
  }
}

module attributes {stable_mosaic.version = 14 : i64} {
  func.func @_lin_first_body(%arg0: i32, %arg1: memref<2000x128xf32, #tpu.memory_space<vmem>>, %arg2: memref<128x128xf32, #tpu.memory_space<vmem>>, %arg3: memref<1x128xf32, #tpu.memory_space<vmem>>, %arg4: memref<2000x128xf32, #tpu.memory_space<vmem>>) attributes {dimension_semantics = [#tpu.dimension_semantics<arbitrary>], iteration_bounds = array<i64: 5>, scalar_prefetch = 0 : i64, scratch_operands = 0 : i64, tpu.core_type = #tpu.core_type<tc>, window_params = [{transform_indices = @transform_0, window_bounds = array<i64: 2000, 128>}, {pipeline_mode = #tpu.pipeline_mode<synchronous>, transform_indices = @transform_1, window_bounds = array<i64: 128, 128>}, {pipeline_mode = #tpu.pipeline_mode<synchronous>, transform_indices = @transform_2, window_bounds = array<i64: 1, 128>}, {transform_indices = @transform_3, window_bounds = array<i64: 2000, 128>}]} {
    %get3A = arith.constant 0 : index
    %get3A_0 = arith.constant 0 : index
    %get3A_1 = vector.load %arg1[%get3A, %get3A_0] : memref<2000x128xf32, #tpu.memory_space<vmem>>, vector<2000x128xf32>
    %mul3A = arith.mulf %get3A_1, %get3A_1 : vector<2000x128xf32>
    %reduce_sum3A = arith.constant dense<0.000000e+00> : vector<2000xf32>
    %reduce_sum3A_2 = vector.multi_reduction <add>, %mul3A, %reduce_sum3A [1] : vector<2000x128xf32> to vector<2000xf32>
    %broadcast_in_dim3A = vector.shape_cast %reduce_sum3A_2 : vector<2000xf32> to vector<2000x1xf32>
    %sqrt3A = math.sqrt %broadcast_in_dim3A : vector<2000x1xf32>
    %jit3A = arith.constant 1.000000e-15 : f32
    %max3A = vector.broadcast %jit3A : f32 to vector<2000x1xf32>
    %max3A_3 = arith.maximumf %max3A, %sqrt3A : vector<2000x1xf32>
    %tanh3A = math.tanh %max3A_3 : vector<2000x1xf32>
    %mul3A_4 = vector.broadcast %tanh3A : vector<2000x1xf32> to vector<2000x128xf32>
    %mul3A_5 = arith.mulf %mul3A_4, %get3A_1 : vector<2000x128xf32>
    %div3A = vector.broadcast %max3A_3 : vector<2000x1xf32> to vector<2000x128xf32>
    %div3A_6 = arith.divf %mul3A_5, %div3A : vector<2000x128xf32>
    %mul3A_7 = arith.mulf %div3A_6, %div3A_6 : vector<2000x128xf32>
    %reduce_sum3A_8 = arith.constant dense<0.000000e+00> : vector<2000xf32>
    %reduce_sum3A_9 = vector.multi_reduction <add>, %mul3A_7, %reduce_sum3A_8 [1] : vector<2000x128xf32> to vector<2000xf32>
    %broadcast_in_dim3A_10 = vector.shape_cast %reduce_sum3A_9 : vector<2000xf32> to vector<2000x1xf32>
    %sqrt3A_11 = math.sqrt %broadcast_in_dim3A_10 : vector<2000x1xf32>
    %jit3A_12 = arith.constant 1.000000e-15 : f32
    %max3A_13 = vector.broadcast %jit3A_12 : f32 to vector<2000x1xf32>
    %max3A_14 = arith.maximumf %max3A_13, %sqrt3A_11 : vector<2000x1xf32>
    %gt3A = arith.constant 0.999989986 : f32
    %gt3A_15 = vector.broadcast %gt3A : f32 to vector<2000x1xf32>
    %gt3A_16 = arith.cmpf ogt, %max3A_14, %gt3A_15 : vector<2000x1xf32>
    %div3A_17 = vector.broadcast %max3A_14 : vector<2000x1xf32> to vector<2000x128xf32>
    %div3A_18 = arith.divf %div3A_6, %div3A_17 : vector<2000x128xf32>
    %mul3A_19 = arith.constant 0.999989986 : f32
    %mul3A_20 = vector.broadcast %mul3A_19 : f32 to vector<2000x128xf32>
    %mul3A_21 = arith.mulf %div3A_18, %mul3A_20 : vector<2000x128xf32>
    %broadcast_in_dim3A_22 = vector.shape_cast %gt3A_16 : vector<2000x1xi1> to vector<2000x1xi1>
    %broadcast_in_dim3A_23 = vector.broadcast %broadcast_in_dim3A_22 : vector<2000x1xi1> to vector<2000x128xi1>
    %select_n3A = arith.select %broadcast_in_dim3A_23, %mul3A_21, %div3A_6 : vector<2000x128xi1>, vector<2000x128xf32>
    %get3A_24 = arith.constant 0 : index
    %get3A_25 = arith.constant 0 : index
    %get3A_26 = vector.load %arg2[%get3A_24, %get3A_25] : memref<128x128xf32, #tpu.memory_space<vmem>>, vector<128x128xf32>
    %get3A_27 = arith.constant 0 : index
    %get3A_28 = arith.constant 0 : index
    %get3A_29 = vector.load %arg3[%get3A_27, %get3A_28] : memref<1x128xf32, #tpu.memory_space<vmem>>, vector<1x128xf32>
    %dot_general3A = arith.constant dense<0.000000e+00> : vector<2000x128xf32>
    %dot_general3A_30 = tpu.matmul %select_n3A, %get3A_26, %dot_general3A {dimension_numbers = #tpu.dot_dimension_numbers<[1], [0], [0], [1], [0, 0, 1, 1], [], []>, transpose_lhs_hint = false} : vector<2000x128xf32>, vector<128x128xf32>, vector<2000x128xf32> -> vector<2000x128xf32>
    %mul3A_31 = arith.mulf %select_n3A, %select_n3A : vector<2000x128xf32>
    %reduce_sum3A_32 = arith.constant dense<0.000000e+00> : vector<2000xf32>
    %reduce_sum3A_33 = vector.multi_reduction <add>, %mul3A_31, %reduce_sum3A_32 [1] : vector<2000x128xf32> to vector<2000xf32>
    %broadcast_in_dim3A_34 = vector.shape_cast %reduce_sum3A_33 : vector<2000xf32> to vector<2000x1xf32>
    %sqrt3A_35 = math.sqrt %broadcast_in_dim3A_34 : vector<2000x1xf32>
    %jit3A_36 = arith.constant 1.000000e-15 : f32
    %max3A_37 = vector.broadcast %jit3A_36 : f32 to vector<2000x1xf32>
    %max3A_38 = arith.maximumf %max3A_37, %sqrt3A_35 : vector<2000x1xf32>
    %mul3A_39 = arith.mulf %dot_general3A_30, %dot_general3A_30 : vector<2000x128xf32>
    %reduce_sum3A_40 = arith.constant dense<0.000000e+00> : vector<2000xf32>
    %reduce_sum3A_41 = vector.multi_reduction <add>, %mul3A_39, %reduce_sum3A_40 [1] : vector<2000x128xf32> to vector<2000xf32>
    %broadcast_in_dim3A_42 = vector.shape_cast %reduce_sum3A_41 : vector<2000xf32> to vector<2000x1xf32>
    %sqrt3A_43 = math.sqrt %broadcast_in_dim3A_42 : vector<2000x1xf32>
    %jit3A_44 = arith.constant 1.000000e-15 : f32
    %max3A_45 = vector.broadcast %jit3A_44 : f32 to vector<2000x1xf32>
    %max3A_46 = arith.maximumf %max3A_45, %sqrt3A_43 : vector<2000x1xf32>
    %div3A_47 = arith.divf %max3A_46, %max3A_38 : vector<2000x1xf32>
    %jit3A_48 = arith.constant -0.99999988 : f32
    %jit3A_49 = arith.constant 0.99999988 : f32
    %max3A_50 = vector.broadcast %jit3A_48 : f32 to vector<2000x1xf32>
    %max3A_51 = arith.maximumf %max3A_50, %max3A_38 : vector<2000x1xf32>
    %min3A = vector.broadcast %jit3A_49 : f32 to vector<2000x1xf32>
    %min3A_52 = arith.minimumf %min3A, %max3A_51 : vector<2000x1xf32>
    %add3A = arith.constant 1.000000e+00 : f32
    %add3A_53 = vector.broadcast %add3A : f32 to vector<2000x1xf32>
    %add3A_54 = arith.addf %add3A_53, %min3A_52 : vector<2000x1xf32>
    %sub3A = arith.constant 1.000000e+00 : f32
    %sub3A_55 = vector.broadcast %sub3A : f32 to vector<2000x1xf32>
    %sub3A_56 = arith.subf %sub3A_55, %min3A_52 : vector<2000x1xf32>
    %div3A_57 = arith.divf %add3A_54, %sub3A_56 : vector<2000x1xf32>
    %log3A = math.log %div3A_57 : vector<2000x1xf32>
    %mul3A_58 = arith.constant 5.000000e-01 : f32
    %mul3A_59 = vector.broadcast %mul3A_58 : f32 to vector<2000x1xf32>
    %mul3A_60 = arith.mulf %mul3A_59, %log3A : vector<2000x1xf32>
    %mul3A_61 = arith.mulf %div3A_47, %mul3A_60 : vector<2000x1xf32>
    %tanh3A_62 = math.tanh %mul3A_61 : vector<2000x1xf32>
    %mul3A_63 = vector.broadcast %tanh3A_62 : vector<2000x1xf32> to vector<2000x128xf32>
    %mul3A_64 = arith.mulf %mul3A_63, %dot_general3A_30 : vector<2000x128xf32>
    %div3A_65 = vector.broadcast %max3A_46 : vector<2000x1xf32> to vector<2000x128xf32>
    %div3A_66 = arith.divf %mul3A_64, %div3A_65 : vector<2000x128xf32>
    %mul3A_67 = arith.mulf %get3A_29, %get3A_29 : vector<1x128xf32>
    %reduce_sum3A_68 = arith.constant dense<0.000000e+00> : vector<1xf32>
    %reduce_sum3A_69 = vector.multi_reduction <add>, %mul3A_67, %reduce_sum3A_68 [1] : vector<1x128xf32> to vector<1xf32>
    %broadcast_in_dim3A_70 = vector.shape_cast %reduce_sum3A_69 : vector<1xf32> to vector<1x1xf32>
    %sqrt3A_71 = math.sqrt %broadcast_in_dim3A_70 : vector<1x1xf32>
    %jit3A_72 = arith.constant 1.000000e-15 : f32
    %max3A_73 = vector.broadcast %jit3A_72 : f32 to vector<1x1xf32>
    %max3A_74 = arith.maximumf %max3A_73, %sqrt3A_71 : vector<1x1xf32>
    %tanh3A_75 = math.tanh %max3A_74 : vector<1x1xf32>
    %mul3A_76 = vector.broadcast %tanh3A_75 : vector<1x1xf32> to vector<1x128xf32>
    %mul3A_77 = arith.mulf %mul3A_76, %get3A_29 : vector<1x128xf32>
    %div3A_78 = vector.broadcast %max3A_74 : vector<1x1xf32> to vector<1x128xf32>
    %div3A_79 = arith.divf %mul3A_77, %div3A_78 : vector<1x128xf32>
    %mul3A_80 = arith.mulf %div3A_79, %div3A_79 : vector<1x128xf32>
    %reduce_sum3A_81 = arith.constant dense<0.000000e+00> : vector<1xf32>
    %reduce_sum3A_82 = vector.multi_reduction <add>, %mul3A_80, %reduce_sum3A_81 [1] : vector<1x128xf32> to vector<1xf32>
    %broadcast_in_dim3A_83 = vector.shape_cast %reduce_sum3A_82 : vector<1xf32> to vector<1x1xf32>
    %sqrt3A_84 = math.sqrt %broadcast_in_dim3A_83 : vector<1x1xf32>
    %jit3A_85 = arith.constant 1.000000e-15 : f32
    %max3A_86 = vector.broadcast %jit3A_85 : f32 to vector<1x1xf32>
    %max3A_87 = arith.maximumf %max3A_86, %sqrt3A_84 : vector<1x1xf32>
    %gt3A_88 = arith.constant 0.999989986 : f32
    %gt3A_89 = vector.broadcast %gt3A_88 : f32 to vector<1x1xf32>
    %gt3A_90 = arith.cmpf ogt, %max3A_87, %gt3A_89 : vector<1x1xf32>
    %div3A_91 = vector.broadcast %max3A_87 : vector<1x1xf32> to vector<1x128xf32>
    %div3A_92 = arith.divf %div3A_79, %div3A_91 : vector<1x128xf32>
    %mul3A_93 = arith.constant 0.999989986 : f32
    %mul3A_94 = vector.broadcast %mul3A_93 : f32 to vector<1x128xf32>
    %mul3A_95 = arith.mulf %div3A_92, %mul3A_94 : vector<1x128xf32>
    %broadcast_in_dim3A_96 = vector.shape_cast %gt3A_90 : vector<1x1xi1> to vector<1x1xi1>
    %broadcast_in_dim3A_97 = vector.broadcast %broadcast_in_dim3A_96 : vector<1x1xi1> to vector<1x128xi1>
    %select_n3A_98 = arith.select %broadcast_in_dim3A_97, %mul3A_95, %div3A_79 : vector<1x128xi1>, vector<1x128xf32>
    %mul3A_99 = arith.mulf %div3A_66, %div3A_66 : vector<2000x128xf32>
    %reduce_sum3A_100 = arith.constant dense<0.000000e+00> : vector<2000xf32>
    %reduce_sum3A_101 = vector.multi_reduction <add>, %mul3A_99, %reduce_sum3A_100 [1] : vector<2000x128xf32> to vector<2000xf32>
    %broadcast_in_dim3A_102 = vector.shape_cast %reduce_sum3A_101 : vector<2000xf32> to vector<2000x1xf32>
    %sqrt3A_103 = math.sqrt %broadcast_in_dim3A_102 : vector<2000x1xf32>
    %jit3A_104 = arith.constant 1.000000e-15 : f32
    %max3A_105 = vector.broadcast %jit3A_104 : f32 to vector<2000x1xf32>
    %max3A_106 = arith.maximumf %max3A_105, %sqrt3A_103 : vector<2000x1xf32>
    %gt3A_107 = arith.constant 0.999989986 : f32
    %gt3A_108 = vector.broadcast %gt3A_107 : f32 to vector<2000x1xf32>
    %gt3A_109 = arith.cmpf ogt, %max3A_106, %gt3A_108 : vector<2000x1xf32>
    %div3A_110 = vector.broadcast %max3A_106 : vector<2000x1xf32> to vector<2000x128xf32>
    %div3A_111 = arith.divf %div3A_66, %div3A_110 : vector<2000x128xf32>
    %mul3A_112 = arith.constant 0.999989986 : f32
    %mul3A_113 = vector.broadcast %mul3A_112 : f32 to vector<2000x128xf32>
    %mul3A_114 = arith.mulf %div3A_111, %mul3A_113 : vector<2000x128xf32>
    %broadcast_in_dim3A_115 = vector.shape_cast %gt3A_109 : vector<2000x1xi1> to vector<2000x1xi1>
    %broadcast_in_dim3A_116 = vector.broadcast %broadcast_in_dim3A_115 : vector<2000x1xi1> to vector<2000x128xi1>
    %select_n3A_117 = arith.select %broadcast_in_dim3A_116, %mul3A_114, %div3A_66 : vector<2000x128xi1>, vector<2000x128xf32>
    %mul3A_118 = arith.mulf %select_n3A_117, %select_n3A_117 : vector<2000x128xf32>
    %reduce_sum3A_119 = arith.constant dense<0.000000e+00> : vector<2000xf32>
    %reduce_sum3A_120 = vector.multi_reduction <add>, %mul3A_118, %reduce_sum3A_119 [1] : vector<2000x128xf32> to vector<2000xf32>
    %broadcast_in_dim3A_121 = vector.shape_cast %reduce_sum3A_120 : vector<2000xf32> to vector<2000x1xf32>
    %mul3A_122 = arith.mulf %select_n3A_98, %select_n3A_98 : vector<1x128xf32>
    %reduce_sum3A_123 = arith.constant dense<0.000000e+00> : vector<1xf32>
    %reduce_sum3A_124 = vector.multi_reduction <add>, %mul3A_122, %reduce_sum3A_123 [1] : vector<1x128xf32> to vector<1xf32>
    %broadcast_in_dim3A_125 = vector.shape_cast %reduce_sum3A_124 : vector<1xf32> to vector<1x1xf32>
    %mul3A_126 = vector.broadcast %select_n3A_98 : vector<1x128xf32> to vector<2000x128xf32>
    %mul3A_127 = arith.mulf %select_n3A_117, %mul3A_126 : vector<2000x128xf32>
    %reduce_sum3A_128 = arith.constant dense<0.000000e+00> : vector<2000xf32>
    %reduce_sum3A_129 = vector.multi_reduction <add>, %mul3A_127, %reduce_sum3A_128 [1] : vector<2000x128xf32> to vector<2000xf32>
    %broadcast_in_dim3A_130 = vector.shape_cast %reduce_sum3A_129 : vector<2000xf32> to vector<2000x1xf32>
    %mul3A_131 = arith.constant 2.000000e+00 : f32
    %mul3A_132 = vector.broadcast %mul3A_131 : f32 to vector<2000x1xf32>
    %mul3A_133 = arith.mulf %mul3A_132, %broadcast_in_dim3A_130 : vector<2000x1xf32>
    %add3A_134 = arith.constant 1.000000e+00 : f32
    %add3A_135 = vector.broadcast %add3A_134 : f32 to vector<2000x1xf32>
    %add3A_136 = arith.addf %add3A_135, %mul3A_133 : vector<2000x1xf32>
    %add3A_137 = vector.broadcast %broadcast_in_dim3A_125 : vector<1x1xf32> to vector<2000x1xf32>
    %add3A_138 = arith.addf %add3A_136, %add3A_137 : vector<2000x1xf32>
    %mul3A_139 = vector.broadcast %add3A_138 : vector<2000x1xf32> to vector<2000x128xf32>
    %mul3A_140 = arith.mulf %mul3A_139, %select_n3A_117 : vector<2000x128xf32>
    %sub3A_141 = arith.constant 1.000000e+00 : f32
    %sub3A_142 = vector.broadcast %sub3A_141 : f32 to vector<2000x1xf32>
    %sub3A_143 = arith.subf %sub3A_142, %broadcast_in_dim3A_121 : vector<2000x1xf32>
    %mul3A_144 = vector.broadcast %sub3A_143 : vector<2000x1xf32> to vector<2000x128xf32>
    %mul3A_145 = vector.broadcast %select_n3A_98 : vector<1x128xf32> to vector<2000x128xf32>
    %mul3A_146 = arith.mulf %mul3A_144, %mul3A_145 : vector<2000x128xf32>
    %add3A_147 = arith.addf %mul3A_140, %mul3A_146 : vector<2000x128xf32>
    %mul3A_148 = arith.constant 2.000000e+00 : f32
    %mul3A_149 = vector.broadcast %mul3A_148 : f32 to vector<2000x1xf32>
    %mul3A_150 = arith.mulf %mul3A_149, %broadcast_in_dim3A_130 : vector<2000x1xf32>
    %add3A_151 = arith.constant 1.000000e+00 : f32
    %add3A_152 = vector.broadcast %add3A_151 : f32 to vector<2000x1xf32>
    %add3A_153 = arith.addf %add3A_152, %mul3A_150 : vector<2000x1xf32>
    %mul3A_154 = vector.broadcast %broadcast_in_dim3A_125 : vector<1x1xf32> to vector<2000x1xf32>
    %mul3A_155 = arith.mulf %broadcast_in_dim3A_121, %mul3A_154 : vector<2000x1xf32>
    %add3A_156 = arith.addf %add3A_153, %mul3A_155 : vector<2000x1xf32>
    %max3A_157 = arith.constant 1.000000e-15 : f32
    %max3A_158 = vector.broadcast %max3A_157 : f32 to vector<2000x1xf32>
    %max3A_159 = arith.maximumf %add3A_156, %max3A_158 : vector<2000x1xf32>
    %div3A_160 = vector.broadcast %max3A_159 : vector<2000x1xf32> to vector<2000x128xf32>
    %div3A_161 = arith.divf %add3A_147, %div3A_160 : vector<2000x128xf32>
    %mul3A_162 = arith.mulf %div3A_161, %div3A_161 : vector<2000x128xf32>
    %reduce_sum3A_163 = arith.constant dense<0.000000e+00> : vector<2000xf32>
    %reduce_sum3A_164 = vector.multi_reduction <add>, %mul3A_162, %reduce_sum3A_163 [1] : vector<2000x128xf32> to vector<2000xf32>
    %broadcast_in_dim3A_165 = vector.shape_cast %reduce_sum3A_164 : vector<2000xf32> to vector<2000x1xf32>
    %sqrt3A_166 = math.sqrt %broadcast_in_dim3A_165 : vector<2000x1xf32>
    %jit3A_167 = arith.constant 1.000000e-15 : f32
    %max3A_168 = vector.broadcast %jit3A_167 : f32 to vector<2000x1xf32>
    %max3A_169 = arith.maximumf %max3A_168, %sqrt3A_166 : vector<2000x1xf32>
    %gt3A_170 = arith.constant 0.999989986 : f32
    %gt3A_171 = vector.broadcast %gt3A_170 : f32 to vector<2000x1xf32>
    %gt3A_172 = arith.cmpf ogt, %max3A_169, %gt3A_171 : vector<2000x1xf32>
    %div3A_173 = vector.broadcast %max3A_169 : vector<2000x1xf32> to vector<2000x128xf32>
    %div3A_174 = arith.divf %div3A_161, %div3A_173 : vector<2000x128xf32>
    %mul3A_175 = arith.constant 0.999989986 : f32
    %mul3A_176 = vector.broadcast %mul3A_175 : f32 to vector<2000x128xf32>
    %mul3A_177 = arith.mulf %div3A_174, %mul3A_176 : vector<2000x128xf32>
    %broadcast_in_dim3A_178 = vector.shape_cast %gt3A_172 : vector<2000x1xi1> to vector<2000x1xi1>
    %broadcast_in_dim3A_179 = vector.broadcast %broadcast_in_dim3A_178 : vector<2000x1xi1> to vector<2000x128xi1>
    %select_n3A_180 = arith.select %broadcast_in_dim3A_179, %mul3A_177, %div3A_161 : vector<2000x128xi1>, vector<2000x128xf32>
    %mul3A_181 = arith.mulf %select_n3A_180, %select_n3A_180 : vector<2000x128xf32>
    %reduce_sum3A_182 = arith.constant dense<0.000000e+00> : vector<2000xf32>
    %reduce_sum3A_183 = vector.multi_reduction <add>, %mul3A_181, %reduce_sum3A_182 [1] : vector<2000x128xf32> to vector<2000xf32>
    %broadcast_in_dim3A_184 = vector.shape_cast %reduce_sum3A_183 : vector<2000xf32> to vector<2000x1xf32>
    %sqrt3A_185 = math.sqrt %broadcast_in_dim3A_184 : vector<2000x1xf32>
    %jit3A_186 = arith.constant 1.000000e-15 : f32
    %max3A_187 = vector.broadcast %jit3A_186 : f32 to vector<2000x1xf32>
    %max3A_188 = arith.maximumf %max3A_187, %sqrt3A_185 : vector<2000x1xf32>
    %jit3A_189 = arith.constant -0.99999988 : f32
    %jit3A_190 = arith.constant 0.99999988 : f32
    %max3A_191 = vector.broadcast %jit3A_189 : f32 to vector<2000x1xf32>
    %max3A_192 = arith.maximumf %max3A_191, %max3A_188 : vector<2000x1xf32>
    %min3A_193 = vector.broadcast %jit3A_190 : f32 to vector<2000x1xf32>
    %min3A_194 = arith.minimumf %min3A_193, %max3A_192 : vector<2000x1xf32>
    %add3A_195 = arith.constant 1.000000e+00 : f32
    %add3A_196 = vector.broadcast %add3A_195 : f32 to vector<2000x1xf32>
    %add3A_197 = arith.addf %add3A_196, %min3A_194 : vector<2000x1xf32>
    %sub3A_198 = arith.constant 1.000000e+00 : f32
    %sub3A_199 = vector.broadcast %sub3A_198 : f32 to vector<2000x1xf32>
    %sub3A_200 = arith.subf %sub3A_199, %min3A_194 : vector<2000x1xf32>
    %div3A_201 = arith.divf %add3A_197, %sub3A_200 : vector<2000x1xf32>
    %log3A_202 = math.log %div3A_201 : vector<2000x1xf32>
    %mul3A_203 = arith.constant 5.000000e-01 : f32
    %mul3A_204 = vector.broadcast %mul3A_203 : f32 to vector<2000x1xf32>
    %mul3A_205 = arith.mulf %mul3A_204, %log3A_202 : vector<2000x1xf32>
    %mul3A_206 = vector.broadcast %mul3A_205 : vector<2000x1xf32> to vector<2000x128xf32>
    %mul3A_207 = arith.mulf %mul3A_206, %select_n3A_180 : vector<2000x128xf32>
    %div3A_208 = vector.broadcast %max3A_188 : vector<2000x1xf32> to vector<2000x128xf32>
    %div3A_209 = arith.divf %mul3A_207, %div3A_208 : vector<2000x128xf32>
    %swap3A = arith.constant 0 : index
    %swap3A_210 = arith.constant 0 : index
    %swap3A_211 = vector.load %arg4[%swap3A, %swap3A_210] : memref<2000x128xf32, #tpu.memory_space<vmem>>, vector<2000x128xf32>
    tpu.vector_store %arg4[%swap3A, %swap3A_210], %div3A_209 {strides = array<i32>} : memref<2000x128xf32, #tpu.memory_space<vmem>>, vector<2000x128xf32>,
    return
  }
  func.func @transform_0(%arg0: i32) -> (i32, i32) {
    %c0_i32 = arith.constant 0 : i32
    %c0_i32_0 = arith.constant 0 : i32
    return %arg0, %c0_i32 : i32, i32
  }
  func.func @transform_1(%arg0: i32) -> (i32, i32) {
    %c0_i32 = arith.constant 0 : i32
    %c0_i32_0 = arith.constant 0 : i32
    %c0_i32_1 = arith.constant 0 : i32
    return %c0_i32, %c0_i32_0 : i32, i32
  }
  func.func @transform_2(%arg0: i32) -> (i32, i32) {
    %c0_i32 = arith.constant 0 : i32
    %c0_i32_0 = arith.constant 0 : i32
    %c0_i32_1 = arith.constant 0 : i32
    return %c0_i32, %c0_i32_0 : i32, i32
  }
  func.func @transform_3(%arg0: i32) -> (i32, i32) {
    %c0_i32 = arith.constant 0 : i32
    %c0_i32_0 = arith.constant 0 : i32
    return %arg0, %c0_i32 : i32, i32
  }
}

module attributes {stable_mosaic.version = 14 : i64} {
  func.func @_lin_mid_body(%arg0: i32, %arg1: memref<2000x128xf32, #tpu.memory_space<vmem>>, %arg2: memref<2000x128xf32, #tpu.memory_space<vmem>>, %arg3: memref<2000x1xf32, #tpu.memory_space<vmem>>, %arg4: memref<2000x1xf32, #tpu.memory_space<vmem>>, %arg5: memref<128x128xf32, #tpu.memory_space<vmem>>, %arg6: memref<1x128xf32, #tpu.memory_space<vmem>>, %arg7: memref<2000x128xf32, #tpu.memory_space<vmem>>) attributes {dimension_semantics = [#tpu.dimension_semantics<arbitrary>], iteration_bounds = array<i64: 5>, scalar_prefetch = 0 : i64, scratch_operands = 0 : i64, tpu.core_type = #tpu.core_type<tc>, window_params = [{transform_indices = @transform_0, window_bounds = array<i64: 2000, 128>}, {transform_indices = @transform_1, window_bounds = array<i64: 2000, 128>}, {transform_indices = @transform_2, window_bounds = array<i64: 2000, 1>}, {transform_indices = @transform_3, window_bounds = array<i64: 2000, 1>}, {pipeline_mode = #tpu.pipeline_mode<synchronous>, transform_indices = @transform_4, window_bounds = array<i64: 128, 128>}, {pipeline_mode = #tpu.pipeline_mode<synchronous>, transform_indices = @transform_5, window_bounds = array<i64: 1, 128>}, {transform_indices = @transform_6, window_bounds = array<i64: 2000, 128>}]} {
    %get3A = arith.constant 0 : index
    %get3A_0 = arith.constant 0 : index
    %get3A_1 = vector.load %arg1[%get3A, %get3A_0] : memref<2000x128xf32, #tpu.memory_space<vmem>>, vector<2000x128xf32>
    %get3A_2 = arith.constant 0 : index
    %get3A_3 = arith.constant 0 : index
    %get3A_4 = vector.load %arg2[%get3A_2, %get3A_3] : memref<2000x128xf32, #tpu.memory_space<vmem>>, vector<2000x128xf32>
    %get3A_5 = arith.constant 0 : index
    %get3A_6 = arith.constant 0 : index
    %get3A_7 = vector.load %arg3[%get3A_5, %get3A_6] : memref<2000x1xf32, #tpu.memory_space<vmem>>, vector<2000x1xf32>
    %get3A_8 = arith.constant 0 : index
    %get3A_9 = arith.constant 0 : index
    %get3A_10 = vector.load %arg4[%get3A_8, %get3A_9] : memref<2000x1xf32, #tpu.memory_space<vmem>>, vector<2000x1xf32>
    %add3A = arith.addf %get3A_7, %get3A_10 : vector<2000x1xf32>
    %max3A = arith.constant 1.000000e+00 : f32
    %max3A_11 = vector.broadcast %max3A : f32 to vector<2000x1xf32>
    %max3A_12 = arith.maximumf %add3A, %max3A_11 : vector<2000x1xf32>
    %add3A_13 = arith.addf %get3A_1, %get3A_4 : vector<2000x128xf32>
    %div3A = vector.broadcast %max3A_12 : vector<2000x1xf32> to vector<2000x128xf32>
    %div3A_14 = arith.divf %add3A_13, %div3A : vector<2000x128xf32>
    %mul3A = arith.mulf %div3A_14, %div3A_14 : vector<2000x128xf32>
    %reduce_sum3A = arith.constant dense<0.000000e+00> : vector<2000xf32>
    %reduce_sum3A_15 = vector.multi_reduction <add>, %mul3A, %reduce_sum3A [1] : vector<2000x128xf32> to vector<2000xf32>
    %broadcast_in_dim3A = vector.shape_cast %reduce_sum3A_15 : vector<2000xf32> to vector<2000x1xf32>
    %sqrt3A = math.sqrt %broadcast_in_dim3A : vector<2000x1xf32>
    %jit3A = arith.constant 1.000000e-15 : f32
    %max3A_16 = vector.broadcast %jit3A : f32 to vector<2000x1xf32>
    %max3A_17 = arith.maximumf %max3A_16, %sqrt3A : vector<2000x1xf32>
    %tanh3A = math.tanh %max3A_17 : vector<2000x1xf32>
    %mul3A_18 = vector.broadcast %tanh3A : vector<2000x1xf32> to vector<2000x128xf32>
    %mul3A_19 = arith.mulf %mul3A_18, %div3A_14 : vector<2000x128xf32>
    %div3A_20 = vector.broadcast %max3A_17 : vector<2000x1xf32> to vector<2000x128xf32>
    %div3A_21 = arith.divf %mul3A_19, %div3A_20 : vector<2000x128xf32>
    %mul3A_22 = arith.mulf %div3A_21, %div3A_21 : vector<2000x128xf32>
    %reduce_sum3A_23 = arith.constant dense<0.000000e+00> : vector<2000xf32>
    %reduce_sum3A_24 = vector.multi_reduction <add>, %mul3A_22, %reduce_sum3A_23 [1] : vector<2000x128xf32> to vector<2000xf32>
    %broadcast_in_dim3A_25 = vector.shape_cast %reduce_sum3A_24 : vector<2000xf32> to vector<2000x1xf32>
    %sqrt3A_26 = math.sqrt %broadcast_in_dim3A_25 : vector<2000x1xf32>
    %jit3A_27 = arith.constant 1.000000e-15 : f32
    %max3A_28 = vector.broadcast %jit3A_27 : f32 to vector<2000x1xf32>
    %max3A_29 = arith.maximumf %max3A_28, %sqrt3A_26 : vector<2000x1xf32>
    %gt3A = arith.constant 0.999989986 : f32
    %gt3A_30 = vector.broadcast %gt3A : f32 to vector<2000x1xf32>
    %gt3A_31 = arith.cmpf ogt, %max3A_29, %gt3A_30 : vector<2000x1xf32>
    %div3A_32 = vector.broadcast %max3A_29 : vector<2000x1xf32> to vector<2000x128xf32>
    %div3A_33 = arith.divf %div3A_21, %div3A_32 : vector<2000x128xf32>
    %mul3A_34 = arith.constant 0.999989986 : f32
    %mul3A_35 = vector.broadcast %mul3A_34 : f32 to vector<2000x128xf32>
    %mul3A_36 = arith.mulf %div3A_33, %mul3A_35 : vector<2000x128xf32>
    %broadcast_in_dim3A_37 = vector.shape_cast %gt3A_31 : vector<2000x1xi1> to vector<2000x1xi1>
    %broadcast_in_dim3A_38 = vector.broadcast %broadcast_in_dim3A_37 : vector<2000x1xi1> to vector<2000x128xi1>
    %select_n3A = arith.select %broadcast_in_dim3A_38, %mul3A_36, %div3A_21 : vector<2000x128xi1>, vector<2000x128xf32>
    %mul3A_39 = arith.mulf %select_n3A, %select_n3A : vector<2000x128xf32>
    %reduce_sum3A_40 = arith.constant dense<0.000000e+00> : vector<2000xf32>
    %reduce_sum3A_41 = vector.multi_reduction <add>, %mul3A_39, %reduce_sum3A_40 [1] : vector<2000x128xf32> to vector<2000xf32>
    %broadcast_in_dim3A_42 = vector.shape_cast %reduce_sum3A_41 : vector<2000xf32> to vector<2000x1xf32>
    %sqrt3A_43 = math.sqrt %broadcast_in_dim3A_42 : vector<2000x1xf32>
    %jit3A_44 = arith.constant 1.000000e-15 : f32
    %max3A_45 = vector.broadcast %jit3A_44 : f32 to vector<2000x1xf32>
    %max3A_46 = arith.maximumf %max3A_45, %sqrt3A_43 : vector<2000x1xf32>
    %jit3A_47 = arith.constant -0.99999988 : f32
    %jit3A_48 = arith.constant 0.99999988 : f32
    %max3A_49 = vector.broadcast %jit3A_47 : f32 to vector<2000x1xf32>
    %max3A_50 = arith.maximumf %max3A_49, %max3A_46 : vector<2000x1xf32>
    %min3A = vector.broadcast %jit3A_48 : f32 to vector<2000x1xf32>
    %min3A_51 = arith.minimumf %min3A, %max3A_50 : vector<2000x1xf32>
    %add3A_52 = arith.constant 1.000000e+00 : f32
    %add3A_53 = vector.broadcast %add3A_52 : f32 to vector<2000x1xf32>
    %add3A_54 = arith.addf %add3A_53, %min3A_51 : vector<2000x1xf32>
    %sub3A = arith.constant 1.000000e+00 : f32
    %sub3A_55 = vector.broadcast %sub3A : f32 to vector<2000x1xf32>
    %sub3A_56 = arith.subf %sub3A_55, %min3A_51 : vector<2000x1xf32>
    %div3A_57 = arith.divf %add3A_54, %sub3A_56 : vector<2000x1xf32>
    %log3A = math.log %div3A_57 : vector<2000x1xf32>
    %mul3A_58 = arith.constant 5.000000e-01 : f32
    %mul3A_59 = vector.broadcast %mul3A_58 : f32 to vector<2000x1xf32>
    %mul3A_60 = arith.mulf %mul3A_59, %log3A : vector<2000x1xf32>
    %mul3A_61 = vector.broadcast %mul3A_60 : vector<2000x1xf32> to vector<2000x128xf32>
    %mul3A_62 = arith.mulf %mul3A_61, %select_n3A : vector<2000x128xf32>
    %div3A_63 = vector.broadcast %max3A_46 : vector<2000x1xf32> to vector<2000x128xf32>
    %div3A_64 = arith.divf %mul3A_62, %div3A_63 : vector<2000x128xf32>
    %ge3A = arith.constant 0.000000e+00 : f32
    %ge3A_65 = vector.broadcast %ge3A : f32 to vector<2000x128xf32>
    %ge3A_66 = arith.cmpf oge, %div3A_64, %ge3A_65 : vector<2000x128xf32>
    %mul3A_67 = arith.constant 2.000000e-01 : f32
    %mul3A_68 = vector.broadcast %mul3A_67 : f32 to vector<2000x128xf32>
    %mul3A_69 = arith.mulf %mul3A_68, %div3A_64 : vector<2000x128xf32>
    %select_n3A_70 = arith.select %ge3A_66, %div3A_64, %mul3A_69 : vector<2000x128xi1>, vector<2000x128xf32>
    %mul3A_71 = arith.mulf %select_n3A_70, %select_n3A_70 : vector<2000x128xf32>
    %reduce_sum3A_72 = arith.constant dense<0.000000e+00> : vector<2000xf32>
    %reduce_sum3A_73 = vector.multi_reduction <add>, %mul3A_71, %reduce_sum3A_72 [1] : vector<2000x128xf32> to vector<2000xf32>
    %broadcast_in_dim3A_74 = vector.shape_cast %reduce_sum3A_73 : vector<2000xf32> to vector<2000x1xf32>
    %sqrt3A_75 = math.sqrt %broadcast_in_dim3A_74 : vector<2000x1xf32>
    %jit3A_76 = arith.constant 1.000000e-15 : f32
    %max3A_77 = vector.broadcast %jit3A_76 : f32 to vector<2000x1xf32>
    %max3A_78 = arith.maximumf %max3A_77, %sqrt3A_75 : vector<2000x1xf32>
    %tanh3A_79 = math.tanh %max3A_78 : vector<2000x1xf32>
    %mul3A_80 = vector.broadcast %tanh3A_79 : vector<2000x1xf32> to vector<2000x128xf32>
    %mul3A_81 = arith.mulf %mul3A_80, %select_n3A_70 : vector<2000x128xf32>
    %div3A_82 = vector.broadcast %max3A_78 : vector<2000x1xf32> to vector<2000x128xf32>
    %div3A_83 = arith.divf %mul3A_81, %div3A_82 : vector<2000x128xf32>
    %mul3A_84 = arith.mulf %div3A_83, %div3A_83 : vector<2000x128xf32>
    %reduce_sum3A_85 = arith.constant dense<0.000000e+00> : vector<2000xf32>
    %reduce_sum3A_86 = vector.multi_reduction <add>, %mul3A_84, %reduce_sum3A_85 [1] : vector<2000x128xf32> to vector<2000xf32>
    %broadcast_in_dim3A_87 = vector.shape_cast %reduce_sum3A_86 : vector<2000xf32> to vector<2000x1xf32>
    %sqrt3A_88 = math.sqrt %broadcast_in_dim3A_87 : vector<2000x1xf32>
    %jit3A_89 = arith.constant 1.000000e-15 : f32
    %max3A_90 = vector.broadcast %jit3A_89 : f32 to vector<2000x1xf32>
    %max3A_91 = arith.maximumf %max3A_90, %sqrt3A_88 : vector<2000x1xf32>
    %gt3A_92 = arith.constant 0.999989986 : f32
    %gt3A_93 = vector.broadcast %gt3A_92 : f32 to vector<2000x1xf32>
    %gt3A_94 = arith.cmpf ogt, %max3A_91, %gt3A_93 : vector<2000x1xf32>
    %div3A_95 = vector.broadcast %max3A_91 : vector<2000x1xf32> to vector<2000x128xf32>
    %div3A_96 = arith.divf %div3A_83, %div3A_95 : vector<2000x128xf32>
    %mul3A_97 = arith.constant 0.999989986 : f32
    %mul3A_98 = vector.broadcast %mul3A_97 : f32 to vector<2000x128xf32>
    %mul3A_99 = arith.mulf %div3A_96, %mul3A_98 : vector<2000x128xf32>
    %broadcast_in_dim3A_100 = vector.shape_cast %gt3A_94 : vector<2000x1xi1> to vector<2000x1xi1>
    %broadcast_in_dim3A_101 = vector.broadcast %broadcast_in_dim3A_100 : vector<2000x1xi1> to vector<2000x128xi1>
    %select_n3A_102 = arith.select %broadcast_in_dim3A_101, %mul3A_99, %div3A_83 : vector<2000x128xi1>, vector<2000x128xf32>
    %get3A_103 = arith.constant 0 : index
    %get3A_104 = arith.constant 0 : index
    %get3A_105 = vector.load %arg5[%get3A_103, %get3A_104] : memref<128x128xf32, #tpu.memory_space<vmem>>, vector<128x128xf32>
    %get3A_106 = arith.constant 0 : index
    %get3A_107 = arith.constant 0 : index
    %get3A_108 = vector.load %arg6[%get3A_106, %get3A_107] : memref<1x128xf32, #tpu.memory_space<vmem>>, vector<1x128xf32>
    %dot_general3A = arith.constant dense<0.000000e+00> : vector<2000x128xf32>
    %dot_general3A_109 = tpu.matmul %select_n3A_102, %get3A_105, %dot_general3A {dimension_numbers = #tpu.dot_dimension_numbers<[1], [0], [0], [1], [0, 0, 1, 1], [], []>, transpose_lhs_hint = false} : vector<2000x128xf32>, vector<128x128xf32>, vector<2000x128xf32> -> vector<2000x128xf32>
    %mul3A_110 = arith.mulf %select_n3A_102, %select_n3A_102 : vector<2000x128xf32>
    %reduce_sum3A_111 = arith.constant dense<0.000000e+00> : vector<2000xf32>
    %reduce_sum3A_112 = vector.multi_reduction <add>, %mul3A_110, %reduce_sum3A_111 [1] : vector<2000x128xf32> to vector<2000xf32>
    %broadcast_in_dim3A_113 = vector.shape_cast %reduce_sum3A_112 : vector<2000xf32> to vector<2000x1xf32>
    %sqrt3A_114 = math.sqrt %broadcast_in_dim3A_113 : vector<2000x1xf32>
    %jit3A_115 = arith.constant 1.000000e-15 : f32
    %max3A_116 = vector.broadcast %jit3A_115 : f32 to vector<2000x1xf32>
    %max3A_117 = arith.maximumf %max3A_116, %sqrt3A_114 : vector<2000x1xf32>
    %mul3A_118 = arith.mulf %dot_general3A_109, %dot_general3A_109 : vector<2000x128xf32>
    %reduce_sum3A_119 = arith.constant dense<0.000000e+00> : vector<2000xf32>
    %reduce_sum3A_120 = vector.multi_reduction <add>, %mul3A_118, %reduce_sum3A_119 [1] : vector<2000x128xf32> to vector<2000xf32>
    %broadcast_in_dim3A_121 = vector.shape_cast %reduce_sum3A_120 : vector<2000xf32> to vector<2000x1xf32>
    %sqrt3A_122 = math.sqrt %broadcast_in_dim3A_121 : vector<2000x1xf32>
    %jit3A_123 = arith.constant 1.000000e-15 : f32
    %max3A_124 = vector.broadcast %jit3A_123 : f32 to vector<2000x1xf32>
    %max3A_125 = arith.maximumf %max3A_124, %sqrt3A_122 : vector<2000x1xf32>
    %div3A_126 = arith.divf %max3A_125, %max3A_117 : vector<2000x1xf32>
    %jit3A_127 = arith.constant -0.99999988 : f32
    %jit3A_128 = arith.constant 0.99999988 : f32
    %max3A_129 = vector.broadcast %jit3A_127 : f32 to vector<2000x1xf32>
    %max3A_130 = arith.maximumf %max3A_129, %max3A_117 : vector<2000x1xf32>
    %min3A_131 = vector.broadcast %jit3A_128 : f32 to vector<2000x1xf32>
    %min3A_132 = arith.minimumf %min3A_131, %max3A_130 : vector<2000x1xf32>
    %add3A_133 = arith.constant 1.000000e+00 : f32
    %add3A_134 = vector.broadcast %add3A_133 : f32 to vector<2000x1xf32>
    %add3A_135 = arith.addf %add3A_134, %min3A_132 : vector<2000x1xf32>
    %sub3A_136 = arith.constant 1.000000e+00 : f32
    %sub3A_137 = vector.broadcast %sub3A_136 : f32 to vector<2000x1xf32>
    %sub3A_138 = arith.subf %sub3A_137, %min3A_132 : vector<2000x1xf32>
    %div3A_139 = arith.divf %add3A_135, %sub3A_138 : vector<2000x1xf32>
    %log3A_140 = math.log %div3A_139 : vector<2000x1xf32>
    %mul3A_141 = arith.constant 5.000000e-01 : f32
    %mul3A_142 = vector.broadcast %mul3A_141 : f32 to vector<2000x1xf32>
    %mul3A_143 = arith.mulf %mul3A_142, %log3A_140 : vector<2000x1xf32>
    %mul3A_144 = arith.mulf %div3A_126, %mul3A_143 : vector<2000x1xf32>
    %tanh3A_145 = math.tanh %mul3A_144 : vector<2000x1xf32>
    %mul3A_146 = vector.broadcast %tanh3A_145 : vector<2000x1xf32> to vector<2000x128xf32>
    %mul3A_147 = arith.mulf %mul3A_146, %dot_general3A_109 : vector<2000x128xf32>
    %div3A_148 = vector.broadcast %max3A_125 : vector<2000x1xf32> to vector<2000x128xf32>
    %div3A_149 = arith.divf %mul3A_147, %div3A_148 : vector<2000x128xf32>
    %mul3A_150 = arith.mulf %get3A_108, %get3A_108 : vector<1x128xf32>
    %reduce_sum3A_151 = arith.constant dense<0.000000e+00> : vector<1xf32>
    %reduce_sum3A_152 = vector.multi_reduction <add>, %mul3A_150, %reduce_sum3A_151 [1] : vector<1x128xf32> to vector<1xf32>
    %broadcast_in_dim3A_153 = vector.shape_cast %reduce_sum3A_152 : vector<1xf32> to vector<1x1xf32>
    %sqrt3A_154 = math.sqrt %broadcast_in_dim3A_153 : vector<1x1xf32>
    %jit3A_155 = arith.constant 1.000000e-15 : f32
    %max3A_156 = vector.broadcast %jit3A_155 : f32 to vector<1x1xf32>
    %max3A_157 = arith.maximumf %max3A_156, %sqrt3A_154 : vector<1x1xf32>
    %tanh3A_158 = math.tanh %max3A_157 : vector<1x1xf32>
    %mul3A_159 = vector.broadcast %tanh3A_158 : vector<1x1xf32> to vector<1x128xf32>
    %mul3A_160 = arith.mulf %mul3A_159, %get3A_108 : vector<1x128xf32>
    %div3A_161 = vector.broadcast %max3A_157 : vector<1x1xf32> to vector<1x128xf32>
    %div3A_162 = arith.divf %mul3A_160, %div3A_161 : vector<1x128xf32>
    %mul3A_163 = arith.mulf %div3A_162, %div3A_162 : vector<1x128xf32>
    %reduce_sum3A_164 = arith.constant dense<0.000000e+00> : vector<1xf32>
    %reduce_sum3A_165 = vector.multi_reduction <add>, %mul3A_163, %reduce_sum3A_164 [1] : vector<1x128xf32> to vector<1xf32>
    %broadcast_in_dim3A_166 = vector.shape_cast %reduce_sum3A_165 : vector<1xf32> to vector<1x1xf32>
    %sqrt3A_167 = math.sqrt %broadcast_in_dim3A_166 : vector<1x1xf32>
    %jit3A_168 = arith.constant 1.000000e-15 : f32
    %max3A_169 = vector.broadcast %jit3A_168 : f32 to vector<1x1xf32>
    %max3A_170 = arith.maximumf %max3A_169, %sqrt3A_167 : vector<1x1xf32>
    %gt3A_171 = arith.constant 0.999989986 : f32
    %gt3A_172 = vector.broadcast %gt3A_171 : f32 to vector<1x1xf32>
    %gt3A_173 = arith.cmpf ogt, %max3A_170, %gt3A_172 : vector<1x1xf32>
    %div3A_174 = vector.broadcast %max3A_170 : vector<1x1xf32> to vector<1x128xf32>
    %div3A_175 = arith.divf %div3A_162, %div3A_174 : vector<1x128xf32>
    %mul3A_176 = arith.constant 0.999989986 : f32
    %mul3A_177 = vector.broadcast %mul3A_176 : f32 to vector<1x128xf32>
    %mul3A_178 = arith.mulf %div3A_175, %mul3A_177 : vector<1x128xf32>
    %broadcast_in_dim3A_179 = vector.shape_cast %gt3A_173 : vector<1x1xi1> to vector<1x1xi1>
    %broadcast_in_dim3A_180 = vector.broadcast %broadcast_in_dim3A_179 : vector<1x1xi1> to vector<1x128xi1>
    %select_n3A_181 = arith.select %broadcast_in_dim3A_180, %mul3A_178, %div3A_162 : vector<1x128xi1>, vector<1x128xf32>
    %mul3A_182 = arith.mulf %div3A_149, %div3A_149 : vector<2000x128xf32>
    %reduce_sum3A_183 = arith.constant dense<0.000000e+00> : vector<2000xf32>
    %reduce_sum3A_184 = vector.multi_reduction <add>, %mul3A_182, %reduce_sum3A_183 [1] : vector<2000x128xf32> to vector<2000xf32>
    %broadcast_in_dim3A_185 = vector.shape_cast %reduce_sum3A_184 : vector<2000xf32> to vector<2000x1xf32>
    %sqrt3A_186 = math.sqrt %broadcast_in_dim3A_185 : vector<2000x1xf32>
    %jit3A_187 = arith.constant 1.000000e-15 : f32
    %max3A_188 = vector.broadcast %jit3A_187 : f32 to vector<2000x1xf32>
    %max3A_189 = arith.maximumf %max3A_188, %sqrt3A_186 : vector<2000x1xf32>
    %gt3A_190 = arith.constant 0.999989986 : f32
    %gt3A_191 = vector.broadcast %gt3A_190 : f32 to vector<2000x1xf32>
    %gt3A_192 = arith.cmpf ogt, %max3A_189, %gt3A_191 : vector<2000x1xf32>
    %div3A_193 = vector.broadcast %max3A_189 : vector<2000x1xf32> to vector<2000x128xf32>
    %div3A_194 = arith.divf %div3A_149, %div3A_193 : vector<2000x128xf32>
    %mul3A_195 = arith.constant 0.999989986 : f32
    %mul3A_196 = vector.broadcast %mul3A_195 : f32 to vector<2000x128xf32>
    %mul3A_197 = arith.mulf %div3A_194, %mul3A_196 : vector<2000x128xf32>
    %broadcast_in_dim3A_198 = vector.shape_cast %gt3A_192 : vector<2000x1xi1> to vector<2000x1xi1>
    %broadcast_in_dim3A_199 = vector.broadcast %broadcast_in_dim3A_198 : vector<2000x1xi1> to vector<2000x128xi1>
    %select_n3A_200 = arith.select %broadcast_in_dim3A_199, %mul3A_197, %div3A_149 : vector<2000x128xi1>, vector<2000x128xf32>
    %mul3A_201 = arith.mulf %select_n3A_200, %select_n3A_200 : vector<2000x128xf32>
    %reduce_sum3A_202 = arith.constant dense<0.000000e+00> : vector<2000xf32>
    %reduce_sum3A_203 = vector.multi_reduction <add>, %mul3A_201, %reduce_sum3A_202 [1] : vector<2000x128xf32> to vector<2000xf32>
    %broadcast_in_dim3A_204 = vector.shape_cast %reduce_sum3A_203 : vector<2000xf32> to vector<2000x1xf32>
    %mul3A_205 = arith.mulf %select_n3A_181, %select_n3A_181 : vector<1x128xf32>
    %reduce_sum3A_206 = arith.constant dense<0.000000e+00> : vector<1xf32>
    %reduce_sum3A_207 = vector.multi_reduction <add>, %mul3A_205, %reduce_sum3A_206 [1] : vector<1x128xf32> to vector<1xf32>
    %broadcast_in_dim3A_208 = vector.shape_cast %reduce_sum3A_207 : vector<1xf32> to vector<1x1xf32>
    %mul3A_209 = vector.broadcast %select_n3A_181 : vector<1x128xf32> to vector<2000x128xf32>
    %mul3A_210 = arith.mulf %select_n3A_200, %mul3A_209 : vector<2000x128xf32>
    %reduce_sum3A_211 = arith.constant dense<0.000000e+00> : vector<2000xf32>
    %reduce_sum3A_212 = vector.multi_reduction <add>, %mul3A_210, %reduce_sum3A_211 [1] : vector<2000x128xf32> to vector<2000xf32>
    %broadcast_in_dim3A_213 = vector.shape_cast %reduce_sum3A_212 : vector<2000xf32> to vector<2000x1xf32>
    %mul3A_214 = arith.constant 2.000000e+00 : f32
    %mul3A_215 = vector.broadcast %mul3A_214 : f32 to vector<2000x1xf32>
    %mul3A_216 = arith.mulf %mul3A_215, %broadcast_in_dim3A_213 : vector<2000x1xf32>
    %add3A_217 = arith.constant 1.000000e+00 : f32
    %add3A_218 = vector.broadcast %add3A_217 : f32 to vector<2000x1xf32>
    %add3A_219 = arith.addf %add3A_218, %mul3A_216 : vector<2000x1xf32>
    %add3A_220 = vector.broadcast %broadcast_in_dim3A_208 : vector<1x1xf32> to vector<2000x1xf32>
    %add3A_221 = arith.addf %add3A_219, %add3A_220 : vector<2000x1xf32>
    %mul3A_222 = vector.broadcast %add3A_221 : vector<2000x1xf32> to vector<2000x128xf32>
    %mul3A_223 = arith.mulf %mul3A_222, %select_n3A_200 : vector<2000x128xf32>
    %sub3A_224 = arith.constant 1.000000e+00 : f32
    %sub3A_225 = vector.broadcast %sub3A_224 : f32 to vector<2000x1xf32>
    %sub3A_226 = arith.subf %sub3A_225, %broadcast_in_dim3A_204 : vector<2000x1xf32>
    %mul3A_227 = vector.broadcast %sub3A_226 : vector<2000x1xf32> to vector<2000x128xf32>
    %mul3A_228 = vector.broadcast %select_n3A_181 : vector<1x128xf32> to vector<2000x128xf32>
    %mul3A_229 = arith.mulf %mul3A_227, %mul3A_228 : vector<2000x128xf32>
    %add3A_230 = arith.addf %mul3A_223, %mul3A_229 : vector<2000x128xf32>
    %mul3A_231 = arith.constant 2.000000e+00 : f32
    %mul3A_232 = vector.broadcast %mul3A_231 : f32 to vector<2000x1xf32>
    %mul3A_233 = arith.mulf %mul3A_232, %broadcast_in_dim3A_213 : vector<2000x1xf32>
    %add3A_234 = arith.constant 1.000000e+00 : f32
    %add3A_235 = vector.broadcast %add3A_234 : f32 to vector<2000x1xf32>
    %add3A_236 = arith.addf %add3A_235, %mul3A_233 : vector<2000x1xf32>
    %mul3A_237 = vector.broadcast %broadcast_in_dim3A_208 : vector<1x1xf32> to vector<2000x1xf32>
    %mul3A_238 = arith.mulf %broadcast_in_dim3A_204, %mul3A_237 : vector<2000x1xf32>
    %add3A_239 = arith.addf %add3A_236, %mul3A_238 : vector<2000x1xf32>
    %max3A_240 = arith.constant 1.000000e-15 : f32
    %max3A_241 = vector.broadcast %max3A_240 : f32 to vector<2000x1xf32>
    %max3A_242 = arith.maximumf %add3A_239, %max3A_241 : vector<2000x1xf32>
    %div3A_243 = vector.broadcast %max3A_242 : vector<2000x1xf32> to vector<2000x128xf32>
    %div3A_244 = arith.divf %add3A_230, %div3A_243 : vector<2000x128xf32>
    %mul3A_245 = arith.mulf %div3A_244, %div3A_244 : vector<2000x128xf32>
    %reduce_sum3A_246 = arith.constant dense<0.000000e+00> : vector<2000xf32>
    %reduce_sum3A_247 = vector.multi_reduction <add>, %mul3A_245, %reduce_sum3A_246 [1] : vector<2000x128xf32> to vector<2000xf32>
    %broadcast_in_dim3A_248 = vector.shape_cast %reduce_sum3A_247 : vector<2000xf32> to vector<2000x1xf32>
    %sqrt3A_249 = math.sqrt %broadcast_in_dim3A_248 : vector<2000x1xf32>
    %jit3A_250 = arith.constant 1.000000e-15 : f32
    %max3A_251 = vector.broadcast %jit3A_250 : f32 to vector<2000x1xf32>
    %max3A_252 = arith.maximumf %max3A_251, %sqrt3A_249 : vector<2000x1xf32>
    %gt3A_253 = arith.constant 0.999989986 : f32
    %gt3A_254 = vector.broadcast %gt3A_253 : f32 to vector<2000x1xf32>
    %gt3A_255 = arith.cmpf ogt, %max3A_252, %gt3A_254 : vector<2000x1xf32>
    %div3A_256 = vector.broadcast %max3A_252 : vector<2000x1xf32> to vector<2000x128xf32>
    %div3A_257 = arith.divf %div3A_244, %div3A_256 : vector<2000x128xf32>
    %mul3A_258 = arith.constant 0.999989986 : f32
    %mul3A_259 = vector.broadcast %mul3A_258 : f32 to vector<2000x128xf32>
    %mul3A_260 = arith.mulf %div3A_257, %mul3A_259 : vector<2000x128xf32>
    %broadcast_in_dim3A_261 = vector.shape_cast %gt3A_255 : vector<2000x1xi1> to vector<2000x1xi1>
    %broadcast_in_dim3A_262 = vector.broadcast %broadcast_in_dim3A_261 : vector<2000x1xi1> to vector<2000x128xi1>
    %select_n3A_263 = arith.select %broadcast_in_dim3A_262, %mul3A_260, %div3A_244 : vector<2000x128xi1>, vector<2000x128xf32>
    %mul3A_264 = arith.mulf %select_n3A_263, %select_n3A_263 : vector<2000x128xf32>
    %reduce_sum3A_265 = arith.constant dense<0.000000e+00> : vector<2000xf32>
    %reduce_sum3A_266 = vector.multi_reduction <add>, %mul3A_264, %reduce_sum3A_265 [1] : vector<2000x128xf32> to vector<2000xf32>
    %broadcast_in_dim3A_267 = vector.shape_cast %reduce_sum3A_266 : vector<2000xf32> to vector<2000x1xf32>
    %sqrt3A_268 = math.sqrt %broadcast_in_dim3A_267 : vector<2000x1xf32>
    %jit3A_269 = arith.constant 1.000000e-15 : f32
    %max3A_270 = vector.broadcast %jit3A_269 : f32 to vector<2000x1xf32>
    %max3A_271 = arith.maximumf %max3A_270, %sqrt3A_268 : vector<2000x1xf32>
    %jit3A_272 = arith.constant -0.99999988 : f32
    %jit3A_273 = arith.constant 0.99999988 : f32
    %max3A_274 = vector.broadcast %jit3A_272 : f32 to vector<2000x1xf32>
    %max3A_275 = arith.maximumf %max3A_274, %max3A_271 : vector<2000x1xf32>
    %min3A_276 = vector.broadcast %jit3A_273 : f32 to vector<2000x1xf32>
    %min3A_277 = arith.minimumf %min3A_276, %max3A_275 : vector<2000x1xf32>
    %add3A_278 = arith.constant 1.000000e+00 : f32
    %add3A_279 = vector.broadcast %add3A_278 : f32 to vector<2000x1xf32>
    %add3A_280 = arith.addf %add3A_279, %min3A_277 : vector<2000x1xf32>
    %sub3A_281 = arith.constant 1.000000e+00 : f32
    %sub3A_282 = vector.broadcast %sub3A_281 : f32 to vector<2000x1xf32>
    %sub3A_283 = arith.subf %sub3A_282, %min3A_277 : vector<2000x1xf32>
    %div3A_284 = arith.divf %add3A_280, %sub3A_283 : vector<2000x1xf32>
    %log3A_285 = math.log %div3A_284 : vector<2000x1xf32>
    %mul3A_286 = arith.constant 5.000000e-01 : f32
    %mul3A_287 = vector.broadcast %mul3A_286 : f32 to vector<2000x1xf32>
    %mul3A_288 = arith.mulf %mul3A_287, %log3A_285 : vector<2000x1xf32>
    %mul3A_289 = vector.broadcast %mul3A_288 : vector<2000x1xf32> to vector<2000x128xf32>
    %mul3A_290 = arith.mulf %mul3A_289, %select_n3A_263 : vector<2000x128xf32>
    %div3A_291 = vector.broadcast %max3A_271 : vector<2000x1xf32> to vector<2000x128xf32>
    %div3A_292 = arith.divf %mul3A_290, %div3A_291 : vector<2000x128xf32>
    %swap3A = arith.constant 0 : index
    %swap3A_293 = arith.constant 0 : index
    %swap3A_294 = vector.load %arg7[%swap3A, %swap3A_293] : memref<2000x128xf32, #tpu.memory_space<vmem>>, vector<2000x128xf32>
    tpu.vector_store %arg7[%swap3A, %swap3A_293], %div3A_292 {strides = array<i32>} : memref<2000x128xf32, #tpu.memory_space<vmem>>, vector<2000x128xf32>,
    return
  }
  func.func @transform_0(%arg0: i32) -> (i32, i32) {
    %c0_i32 = arith.constant 0 : i32
    %c0_i32_0 = arith.constant 0 : i32
    return %arg0, %c0_i32 : i32, i32
  }
  func.func @transform_1(%arg0: i32) -> (i32, i32) {
    %c0_i32 = arith.constant 0 : i32
    %c0_i32_0 = arith.constant 0 : i32
    return %arg0, %c0_i32 : i32, i32
  }
  func.func @transform_2(%arg0: i32) -> (i32, i32) {
    %c0_i32 = arith.constant 0 : i32
    %c0_i32_0 = arith.constant 0 : i32
    return %arg0, %c0_i32 : i32, i32
  }
  func.func @transform_3(%arg0: i32) -> (i32, i32) {
    %c0_i32 = arith.constant 0 : i32
    %c0_i32_0 = arith.constant 0 : i32
    return %arg0, %c0_i32 : i32, i32
  }
  func.func @transform_4(%arg0: i32) -> (i32, i32) {
    %c0_i32 = arith.constant 0 : i32
    %c0_i32_0 = arith.constant 0 : i32
    %c0_i32_1 = arith.constant 0 : i32
    return %c0_i32, %c0_i32_0 : i32, i32
  }
  func.func @transform_5(%arg0: i32) -> (i32, i32) {
    %c0_i32 = arith.constant 0 : i32
    %c0_i32_0 = arith.constant 0 : i32
    %c0_i32_1 = arith.constant 0 : i32
    return %c0_i32, %c0_i32_0 : i32, i32
  }
  func.func @transform_6(%arg0: i32) -> (i32, i32) {
    %c0_i32 = arith.constant 0 : i32
    %c0_i32_0 = arith.constant 0 : i32
    return %arg0, %c0_i32 : i32, i32
  }
}

module attributes {stable_mosaic.version = 14 : i64} {
  func.func @_pool_body(%arg0: i32, %arg1: memref<2000x128xf32, #tpu.memory_space<vmem>>, %arg2: memref<2000x128xf32, #tpu.memory_space<vmem>>, %arg3: memref<2000x1xf32, #tpu.memory_space<vmem>>, %arg4: memref<2000x1xf32, #tpu.memory_space<vmem>>, %arg5: memref<2000x1xi32, #tpu.memory_space<vmem>>, %arg6: memref<64x128xf32, #tpu.memory_space<vmem>>, %arg7: memref<64x1xf32, #tpu.memory_space<vmem>>) attributes {dimension_semantics = [#tpu.dimension_semantics<arbitrary>], iteration_bounds = array<i64: 5>, scalar_prefetch = 0 : i64, scratch_operands = 0 : i64, tpu.core_type = #tpu.core_type<tc>, window_params = [{transform_indices = @transform_0, window_bounds = array<i64: 2000, 128>}, {transform_indices = @transform_1, window_bounds = array<i64: 2000, 128>}, {transform_indices = @transform_2, window_bounds = array<i64: 2000, 1>}, {transform_indices = @transform_3, window_bounds = array<i64: 2000, 1>}, {transform_indices = @transform_4, window_bounds = array<i64: 2000, 1>}, {pipeline_mode = #tpu.pipeline_mode<synchronous>, transform_indices = @transform_5, window_bounds = array<i64: 64, 128>}, {pipeline_mode = #tpu.pipeline_mode<synchronous>, transform_indices = @transform_6, window_bounds = array<i64: 64, 1>}]} {
    %get3A = arith.constant 0 : index
    %get3A_0 = arith.constant 0 : index
    %get3A_1 = vector.load %arg1[%get3A, %get3A_0] : memref<2000x128xf32, #tpu.memory_space<vmem>>, vector<2000x128xf32>
    %get3A_2 = arith.constant 0 : index
    %get3A_3 = arith.constant 0 : index
    %get3A_4 = vector.load %arg2[%get3A_2, %get3A_3] : memref<2000x128xf32, #tpu.memory_space<vmem>>, vector<2000x128xf32>
    %get3A_5 = arith.constant 0 : index
    %get3A_6 = arith.constant 0 : index
    %get3A_7 = vector.load %arg3[%get3A_5, %get3A_6] : memref<2000x1xf32, #tpu.memory_space<vmem>>, vector<2000x1xf32>
    %get3A_8 = arith.constant 0 : index
    %get3A_9 = arith.constant 0 : index
    %get3A_10 = vector.load %arg4[%get3A_8, %get3A_9] : memref<2000x1xf32, #tpu.memory_space<vmem>>, vector<2000x1xf32>
    %add3A = arith.addf %get3A_7, %get3A_10 : vector<2000x1xf32>
    %max3A = arith.constant 1.000000e+00 : f32
    %max3A_11 = vector.broadcast %max3A : f32 to vector<2000x1xf32>
    %max3A_12 = arith.maximumf %add3A, %max3A_11 : vector<2000x1xf32>
    %add3A_13 = arith.addf %get3A_1, %get3A_4 : vector<2000x128xf32>
    %div3A = vector.broadcast %max3A_12 : vector<2000x1xf32> to vector<2000x128xf32>
    %div3A_14 = arith.divf %add3A_13, %div3A : vector<2000x128xf32>
    %mul3A = arith.mulf %div3A_14, %div3A_14 : vector<2000x128xf32>
    %reduce_sum3A = arith.constant dense<0.000000e+00> : vector<2000xf32>
    %reduce_sum3A_15 = vector.multi_reduction <add>, %mul3A, %reduce_sum3A [1] : vector<2000x128xf32> to vector<2000xf32>
    %broadcast_in_dim3A = vector.shape_cast %reduce_sum3A_15 : vector<2000xf32> to vector<2000x1xf32>
    %sqrt3A = math.sqrt %broadcast_in_dim3A : vector<2000x1xf32>
    %jit3A = arith.constant 1.000000e-15 : f32
    %max3A_16 = vector.broadcast %jit3A : f32 to vector<2000x1xf32>
    %max3A_17 = arith.maximumf %max3A_16, %sqrt3A : vector<2000x1xf32>
    %tanh3A = math.tanh %max3A_17 : vector<2000x1xf32>
    %mul3A_18 = vector.broadcast %tanh3A : vector<2000x1xf32> to vector<2000x128xf32>
    %mul3A_19 = arith.mulf %mul3A_18, %div3A_14 : vector<2000x128xf32>
    %div3A_20 = vector.broadcast %max3A_17 : vector<2000x1xf32> to vector<2000x128xf32>
    %div3A_21 = arith.divf %mul3A_19, %div3A_20 : vector<2000x128xf32>
    %mul3A_22 = arith.mulf %div3A_21, %div3A_21 : vector<2000x128xf32>
    %reduce_sum3A_23 = arith.constant dense<0.000000e+00> : vector<2000xf32>
    %reduce_sum3A_24 = vector.multi_reduction <add>, %mul3A_22, %reduce_sum3A_23 [1] : vector<2000x128xf32> to vector<2000xf32>
    %broadcast_in_dim3A_25 = vector.shape_cast %reduce_sum3A_24 : vector<2000xf32> to vector<2000x1xf32>
    %sqrt3A_26 = math.sqrt %broadcast_in_dim3A_25 : vector<2000x1xf32>
    %jit3A_27 = arith.constant 1.000000e-15 : f32
    %max3A_28 = vector.broadcast %jit3A_27 : f32 to vector<2000x1xf32>
    %max3A_29 = arith.maximumf %max3A_28, %sqrt3A_26 : vector<2000x1xf32>
    %gt3A = arith.constant 0.999989986 : f32
    %gt3A_30 = vector.broadcast %gt3A : f32 to vector<2000x1xf32>
    %gt3A_31 = arith.cmpf ogt, %max3A_29, %gt3A_30 : vector<2000x1xf32>
    %div3A_32 = vector.broadcast %max3A_29 : vector<2000x1xf32> to vector<2000x128xf32>
    %div3A_33 = arith.divf %div3A_21, %div3A_32 : vector<2000x128xf32>
    %mul3A_34 = arith.constant 0.999989986 : f32
    %mul3A_35 = vector.broadcast %mul3A_34 : f32 to vector<2000x128xf32>
    %mul3A_36 = arith.mulf %div3A_33, %mul3A_35 : vector<2000x128xf32>
    %broadcast_in_dim3A_37 = vector.shape_cast %gt3A_31 : vector<2000x1xi1> to vector<2000x1xi1>
    %broadcast_in_dim3A_38 = vector.broadcast %broadcast_in_dim3A_37 : vector<2000x1xi1> to vector<2000x128xi1>
    %select_n3A = arith.select %broadcast_in_dim3A_38, %mul3A_36, %div3A_21 : vector<2000x128xi1>, vector<2000x128xf32>
    %mul3A_39 = arith.mulf %select_n3A, %select_n3A : vector<2000x128xf32>
    %reduce_sum3A_40 = arith.constant dense<0.000000e+00> : vector<2000xf32>
    %reduce_sum3A_41 = vector.multi_reduction <add>, %mul3A_39, %reduce_sum3A_40 [1] : vector<2000x128xf32> to vector<2000xf32>
    %broadcast_in_dim3A_42 = vector.shape_cast %reduce_sum3A_41 : vector<2000xf32> to vector<2000x1xf32>
    %sqrt3A_43 = math.sqrt %broadcast_in_dim3A_42 : vector<2000x1xf32>
    %jit3A_44 = arith.constant 1.000000e-15 : f32
    %max3A_45 = vector.broadcast %jit3A_44 : f32 to vector<2000x1xf32>
    %max3A_46 = arith.maximumf %max3A_45, %sqrt3A_43 : vector<2000x1xf32>
    %jit3A_47 = arith.constant -0.99999988 : f32
    %jit3A_48 = arith.constant 0.99999988 : f32
    %max3A_49 = vector.broadcast %jit3A_47 : f32 to vector<2000x1xf32>
    %max3A_50 = arith.maximumf %max3A_49, %max3A_46 : vector<2000x1xf32>
    %min3A = vector.broadcast %jit3A_48 : f32 to vector<2000x1xf32>
    %min3A_51 = arith.minimumf %min3A, %max3A_50 : vector<2000x1xf32>
    %add3A_52 = arith.constant 1.000000e+00 : f32
    %add3A_53 = vector.broadcast %add3A_52 : f32 to vector<2000x1xf32>
    %add3A_54 = arith.addf %add3A_53, %min3A_51 : vector<2000x1xf32>
    %sub3A = arith.constant 1.000000e+00 : f32
    %sub3A_55 = vector.broadcast %sub3A : f32 to vector<2000x1xf32>
    %sub3A_56 = arith.subf %sub3A_55, %min3A_51 : vector<2000x1xf32>
    %div3A_57 = arith.divf %add3A_54, %sub3A_56 : vector<2000x1xf32>
    %log3A = math.log %div3A_57 : vector<2000x1xf32>
    %mul3A_58 = arith.constant 5.000000e-01 : f32
    %mul3A_59 = vector.broadcast %mul3A_58 : f32 to vector<2000x1xf32>
    %mul3A_60 = arith.mulf %mul3A_59, %log3A : vector<2000x1xf32>
    %mul3A_61 = vector.broadcast %mul3A_60 : vector<2000x1xf32> to vector<2000x128xf32>
    %mul3A_62 = arith.mulf %mul3A_61, %select_n3A : vector<2000x128xf32>
    %div3A_63 = vector.broadcast %max3A_46 : vector<2000x1xf32> to vector<2000x128xf32>
    %div3A_64 = arith.divf %mul3A_62, %div3A_63 : vector<2000x128xf32>
    %get3A_65 = arith.constant 0 : index
    %get3A_66 = arith.constant 0 : index
    %get3A_67 = vector.load %arg5[%get3A_65, %get3A_66] : memref<2000x1xi32, #tpu.memory_space<vmem>>, vector<2000x1xi32>
    %iota3A = tpu.iota {dimensions = array<i32: 0>} : vector<64x2000xi32>
    %squeeze3A = vector.shape_cast %get3A_67 : vector<2000x1xi32> to vector<2000xi32>
    %broadcast_in_dim3A_68 = vector.shape_cast %squeeze3A : vector<2000xi32> to vector<1x2000xi32>
    %eq3A = vector.broadcast %broadcast_in_dim3A_68 : vector<1x2000xi32> to vector<64x2000xi32>
    %eq3A_69 = arith.cmpi eq, %iota3A, %eq3A : vector<64x2000xi32>
    %convert_element_type3A = arith.extui %eq3A_69 : vector<64x2000xi1> to vector<64x2000xi32>
    %convert_element_type3A_70 = arith.sitofp %convert_element_type3A : vector<64x2000xi32> to vector<64x2000xf32>
    %eq3A_71 = arith.constant 0 : i32
    %eq3A_72 = arith.cmpi eq, %arg0, %eq3A_71 : i32
    %convert_element_type3A_73 = arith.extui %eq3A_72 : i1 to i32
    %cond3A = arith.constant 0 : i32
    %cond3A_74 = arith.cmpi ne, %convert_element_type3A_73, %cond3A : i32
    scf.if %cond3A_74 {
      %broadcast_in_dim3A_92 = arith.constant 0.000000e+00 : f32
      %broadcast_in_dim3A_93 = vector.broadcast %broadcast_in_dim3A_92 : f32 to vector<64x128xf32>
      %swap3A_94 = arith.constant 0 : index
      %swap3A_95 = arith.constant 0 : index
      %swap3A_96 = vector.load %arg6[%swap3A_94, %swap3A_95] : memref<64x128xf32, #tpu.memory_space<vmem>>, vector<64x128xf32>
      tpu.vector_store %arg6[%swap3A_94, %swap3A_95], %broadcast_in_dim3A_93 {strides = array<i32>} : memref<64x128xf32, #tpu.memory_space<vmem>>, vector<64x128xf32>,
      %broadcast_in_dim3A_97 = arith.constant 0.000000e+00 : f32
      %broadcast_in_dim3A_98 = vector.broadcast %broadcast_in_dim3A_97 : f32 to vector<64x1xf32>
      %swap3A_99 = arith.constant 0 : index
      %swap3A_100 = arith.constant 0 : index
      %swap3A_101 = vector.load %arg7[%swap3A_99, %swap3A_100] : memref<64x1xf32, #tpu.memory_space<vmem>>, vector<64x1xf32>
      tpu.vector_store %arg7[%swap3A_99, %swap3A_100], %broadcast_in_dim3A_98 {strides = array<i32>} : memref<64x1xf32, #tpu.memory_space<vmem>>, vector<64x1xf32>,
    } else {
    }
    %get3A_75 = arith.constant 0 : index
    %get3A_76 = arith.constant 0 : index
    %get3A_77 = vector.load %arg6[%get3A_75, %get3A_76] : memref<64x128xf32, #tpu.memory_space<vmem>>, vector<64x128xf32>
    %dot_general3A = arith.constant dense<0.000000e+00> : vector<64x128xf32>
    %dot_general3A_78 = tpu.matmul %convert_element_type3A_70, %div3A_64, %dot_general3A {dimension_numbers = #tpu.dot_dimension_numbers<[1], [0], [0], [1], [0, 0, 1, 1], [], []>, transpose_lhs_hint = false} : vector<64x2000xf32>, vector<2000x128xf32>, vector<64x128xf32> -> vector<64x128xf32>
    %add3A_79 = arith.addf %get3A_77, %dot_general3A_78 : vector<64x128xf32>
    %swap3A = arith.constant 0 : index
    %swap3A_80 = arith.constant 0 : index
    %swap3A_81 = vector.load %arg6[%swap3A, %swap3A_80] : memref<64x128xf32, #tpu.memory_space<vmem>>, vector<64x128xf32>
    tpu.vector_store %arg6[%swap3A, %swap3A_80], %add3A_79 {strides = array<i32>} : memref<64x128xf32, #tpu.memory_space<vmem>>, vector<64x128xf32>,
    %get3A_82 = arith.constant 0 : index
    %get3A_83 = arith.constant 0 : index
    %get3A_84 = vector.load %arg7[%get3A_82, %get3A_83] : memref<64x1xf32, #tpu.memory_space<vmem>>, vector<64x1xf32>
    %reduce_sum3A_85 = arith.constant dense<0.000000e+00> : vector<64xf32>
    %reduce_sum3A_86 = vector.multi_reduction <add>, %convert_element_type3A_70, %reduce_sum3A_85 [1] : vector<64x2000xf32> to vector<64xf32>
    %broadcast_in_dim3A_87 = vector.shape_cast %reduce_sum3A_86 : vector<64xf32> to vector<64x1xf32>
    %add3A_88 = arith.addf %get3A_84, %broadcast_in_dim3A_87 : vector<64x1xf32>
    %swap3A_89 = arith.constant 0 : index
    %swap3A_90 = arith.constant 0 : index
    %swap3A_91 = vector.load %arg7[%swap3A_89, %swap3A_90] : memref<64x1xf32, #tpu.memory_space<vmem>>, vector<64x1xf32>
    tpu.vector_store %arg7[%swap3A_89, %swap3A_90], %add3A_88 {strides = array<i32>} : memref<64x1xf32, #tpu.memory_space<vmem>>, vector<64x1xf32>,
    return
  }
  func.func @transform_0(%arg0: i32) -> (i32, i32) {
    %c0_i32 = arith.constant 0 : i32
    %c0_i32_0 = arith.constant 0 : i32
    return %arg0, %c0_i32 : i32, i32
  }
  func.func @transform_1(%arg0: i32) -> (i32, i32) {
    %c0_i32 = arith.constant 0 : i32
    %c0_i32_0 = arith.constant 0 : i32
    return %arg0, %c0_i32 : i32, i32
  }
  func.func @transform_2(%arg0: i32) -> (i32, i32) {
    %c0_i32 = arith.constant 0 : i32
    %c0_i32_0 = arith.constant 0 : i32
    return %arg0, %c0_i32 : i32, i32
  }
  func.func @transform_3(%arg0: i32) -> (i32, i32) {
    %c0_i32 = arith.constant 0 : i32
    %c0_i32_0 = arith.constant 0 : i32
    return %arg0, %c0_i32 : i32, i32
  }
  func.func @transform_4(%arg0: i32) -> (i32, i32) {
    %c0_i32 = arith.constant 0 : i32
    %c0_i32_0 = arith.constant 0 : i32
    return %arg0, %c0_i32 : i32, i32
  }
  func.func @transform_5(%arg0: i32) -> (i32, i32) {
    %c0_i32 = arith.constant 0 : i32
    %c0_i32_0 = arith.constant 0 : i32
    %c0_i32_1 = arith.constant 0 : i32
    return %c0_i32, %c0_i32_0 : i32, i32
  }
  func.func @transform_6(%arg0: i32) -> (i32, i32) {
    %c0_i32 = arith.constant 0 : i32
    %c0_i32_0 = arith.constant 0 : i32
    %c0_i32_1 = arith.constant 0 : i32
    return %c0_i32, %c0_i32_0 : i32, i32
  }
}

module attributes {stable_mosaic.version = 14 : i64} {
  func.func @_final_body(%arg0: i32, %arg1: memref<64x128xf32, #tpu.memory_space<vmem>>, %arg2: memref<64x1xf32, #tpu.memory_space<vmem>>, %arg3: memref<128x128xf32, #tpu.memory_space<vmem>>, %arg4: memref<1x128xf32, #tpu.memory_space<vmem>>, %arg5: memref<64x128xf32, #tpu.memory_space<vmem>>) attributes {dimension_semantics = [#tpu.dimension_semantics<arbitrary>], iteration_bounds = array<i64: 1>, scalar_prefetch = 0 : i64, scratch_operands = 0 : i64, tpu.core_type = #tpu.core_type<tc>, window_params = [{pipeline_mode = #tpu.pipeline_mode<synchronous>, transform_indices = @transform_0, window_bounds = array<i64: 64, 128>}, {pipeline_mode = #tpu.pipeline_mode<synchronous>, transform_indices = @transform_1, window_bounds = array<i64: 64, 1>}, {pipeline_mode = #tpu.pipeline_mode<synchronous>, transform_indices = @transform_2, window_bounds = array<i64: 128, 128>}, {pipeline_mode = #tpu.pipeline_mode<synchronous>, transform_indices = @transform_3, window_bounds = array<i64: 1, 128>}, {pipeline_mode = #tpu.pipeline_mode<synchronous>, transform_indices = @transform_4, window_bounds = array<i64: 64, 128>}]} {
    %get3A = arith.constant 0 : index
    %get3A_0 = arith.constant 0 : index
    %get3A_1 = vector.load %arg1[%get3A, %get3A_0] : memref<64x128xf32, #tpu.memory_space<vmem>>, vector<64x128xf32>
    %get3A_2 = arith.constant 0 : index
    %get3A_3 = arith.constant 0 : index
    %get3A_4 = vector.load %arg2[%get3A_2, %get3A_3] : memref<64x1xf32, #tpu.memory_space<vmem>>, vector<64x1xf32>
    %max3A = arith.constant 1.000000e+00 : f32
    %max3A_5 = vector.broadcast %max3A : f32 to vector<64x1xf32>
    %max3A_6 = arith.maximumf %get3A_4, %max3A_5 : vector<64x1xf32>
    %div3A = vector.broadcast %max3A_6 : vector<64x1xf32> to vector<64x128xf32>
    %div3A_7 = arith.divf %get3A_1, %div3A : vector<64x128xf32>
    %mul3A = arith.mulf %div3A_7, %div3A_7 : vector<64x128xf32>
    %reduce_sum3A = arith.constant dense<0.000000e+00> : vector<64xf32>
    %reduce_sum3A_8 = vector.multi_reduction <add>, %mul3A, %reduce_sum3A [1] : vector<64x128xf32> to vector<64xf32>
    %broadcast_in_dim3A = vector.shape_cast %reduce_sum3A_8 : vector<64xf32> to vector<64x1xf32>
    %sqrt3A = math.sqrt %broadcast_in_dim3A : vector<64x1xf32>
    %jit3A = arith.constant 1.000000e-15 : f32
    %max3A_9 = vector.broadcast %jit3A : f32 to vector<64x1xf32>
    %max3A_10 = arith.maximumf %max3A_9, %sqrt3A : vector<64x1xf32>
    %tanh3A = math.tanh %max3A_10 : vector<64x1xf32>
    %mul3A_11 = vector.broadcast %tanh3A : vector<64x1xf32> to vector<64x128xf32>
    %mul3A_12 = arith.mulf %mul3A_11, %div3A_7 : vector<64x128xf32>
    %div3A_13 = vector.broadcast %max3A_10 : vector<64x1xf32> to vector<64x128xf32>
    %div3A_14 = arith.divf %mul3A_12, %div3A_13 : vector<64x128xf32>
    %get3A_15 = arith.constant 0 : index
    %get3A_16 = arith.constant 0 : index
    %get3A_17 = vector.load %arg3[%get3A_15, %get3A_16] : memref<128x128xf32, #tpu.memory_space<vmem>>, vector<128x128xf32>
    %get3A_18 = arith.constant 0 : index
    %get3A_19 = arith.constant 0 : index
    %get3A_20 = vector.load %arg4[%get3A_18, %get3A_19] : memref<1x128xf32, #tpu.memory_space<vmem>>, vector<1x128xf32>
    %dot_general3A = arith.constant dense<0.000000e+00> : vector<64x128xf32>
    %dot_general3A_21 = tpu.matmul %div3A_14, %get3A_17, %dot_general3A {dimension_numbers = #tpu.dot_dimension_numbers<[1], [0], [0], [1], [0, 0, 1, 1], [], []>, transpose_lhs_hint = false} : vector<64x128xf32>, vector<128x128xf32>, vector<64x128xf32> -> vector<64x128xf32>
    %mul3A_22 = arith.mulf %div3A_14, %div3A_14 : vector<64x128xf32>
    %reduce_sum3A_23 = arith.constant dense<0.000000e+00> : vector<64xf32>
    %reduce_sum3A_24 = vector.multi_reduction <add>, %mul3A_22, %reduce_sum3A_23 [1] : vector<64x128xf32> to vector<64xf32>
    %broadcast_in_dim3A_25 = vector.shape_cast %reduce_sum3A_24 : vector<64xf32> to vector<64x1xf32>
    %sqrt3A_26 = math.sqrt %broadcast_in_dim3A_25 : vector<64x1xf32>
    %jit3A_27 = arith.constant 1.000000e-15 : f32
    %max3A_28 = vector.broadcast %jit3A_27 : f32 to vector<64x1xf32>
    %max3A_29 = arith.maximumf %max3A_28, %sqrt3A_26 : vector<64x1xf32>
    %mul3A_30 = arith.mulf %dot_general3A_21, %dot_general3A_21 : vector<64x128xf32>
    %reduce_sum3A_31 = arith.constant dense<0.000000e+00> : vector<64xf32>
    %reduce_sum3A_32 = vector.multi_reduction <add>, %mul3A_30, %reduce_sum3A_31 [1] : vector<64x128xf32> to vector<64xf32>
    %broadcast_in_dim3A_33 = vector.shape_cast %reduce_sum3A_32 : vector<64xf32> to vector<64x1xf32>
    %sqrt3A_34 = math.sqrt %broadcast_in_dim3A_33 : vector<64x1xf32>
    %jit3A_35 = arith.constant 1.000000e-15 : f32
    %max3A_36 = vector.broadcast %jit3A_35 : f32 to vector<64x1xf32>
    %max3A_37 = arith.maximumf %max3A_36, %sqrt3A_34 : vector<64x1xf32>
    %div3A_38 = arith.divf %max3A_37, %max3A_29 : vector<64x1xf32>
    %jit3A_39 = arith.constant -0.99999988 : f32
    %jit3A_40 = arith.constant 0.99999988 : f32
    %max3A_41 = vector.broadcast %jit3A_39 : f32 to vector<64x1xf32>
    %max3A_42 = arith.maximumf %max3A_41, %max3A_29 : vector<64x1xf32>
    %min3A = vector.broadcast %jit3A_40 : f32 to vector<64x1xf32>
    %min3A_43 = arith.minimumf %min3A, %max3A_42 : vector<64x1xf32>
    %add3A = arith.constant 1.000000e+00 : f32
    %add3A_44 = vector.broadcast %add3A : f32 to vector<64x1xf32>
    %add3A_45 = arith.addf %add3A_44, %min3A_43 : vector<64x1xf32>
    %sub3A = arith.constant 1.000000e+00 : f32
    %sub3A_46 = vector.broadcast %sub3A : f32 to vector<64x1xf32>
    %sub3A_47 = arith.subf %sub3A_46, %min3A_43 : vector<64x1xf32>
    %div3A_48 = arith.divf %add3A_45, %sub3A_47 : vector<64x1xf32>
    %log3A = math.log %div3A_48 : vector<64x1xf32>
    %mul3A_49 = arith.constant 5.000000e-01 : f32
    %mul3A_50 = vector.broadcast %mul3A_49 : f32 to vector<64x1xf32>
    %mul3A_51 = arith.mulf %mul3A_50, %log3A : vector<64x1xf32>
    %mul3A_52 = arith.mulf %div3A_38, %mul3A_51 : vector<64x1xf32>
    %tanh3A_53 = math.tanh %mul3A_52 : vector<64x1xf32>
    %mul3A_54 = vector.broadcast %tanh3A_53 : vector<64x1xf32> to vector<64x128xf32>
    %mul3A_55 = arith.mulf %mul3A_54, %dot_general3A_21 : vector<64x128xf32>
    %div3A_56 = vector.broadcast %max3A_37 : vector<64x1xf32> to vector<64x128xf32>
    %div3A_57 = arith.divf %mul3A_55, %div3A_56 : vector<64x128xf32>
    %mul3A_58 = arith.mulf %get3A_20, %get3A_20 : vector<1x128xf32>
    %reduce_sum3A_59 = arith.constant dense<0.000000e+00> : vector<1xf32>
    %reduce_sum3A_60 = vector.multi_reduction <add>, %mul3A_58, %reduce_sum3A_59 [1] : vector<1x128xf32> to vector<1xf32>
    %broadcast_in_dim3A_61 = vector.shape_cast %reduce_sum3A_60 : vector<1xf32> to vector<1x1xf32>
    %sqrt3A_62 = math.sqrt %broadcast_in_dim3A_61 : vector<1x1xf32>
    %jit3A_63 = arith.constant 1.000000e-15 : f32
    %max3A_64 = vector.broadcast %jit3A_63 : f32 to vector<1x1xf32>
    %max3A_65 = arith.maximumf %max3A_64, %sqrt3A_62 : vector<1x1xf32>
    %tanh3A_66 = math.tanh %max3A_65 : vector<1x1xf32>
    %mul3A_67 = vector.broadcast %tanh3A_66 : vector<1x1xf32> to vector<1x128xf32>
    %mul3A_68 = arith.mulf %mul3A_67, %get3A_20 : vector<1x128xf32>
    %div3A_69 = vector.broadcast %max3A_65 : vector<1x1xf32> to vector<1x128xf32>
    %div3A_70 = arith.divf %mul3A_68, %div3A_69 : vector<1x128xf32>
    %mul3A_71 = arith.mulf %div3A_70, %div3A_70 : vector<1x128xf32>
    %reduce_sum3A_72 = arith.constant dense<0.000000e+00> : vector<1xf32>
    %reduce_sum3A_73 = vector.multi_reduction <add>, %mul3A_71, %reduce_sum3A_72 [1] : vector<1x128xf32> to vector<1xf32>
    %broadcast_in_dim3A_74 = vector.shape_cast %reduce_sum3A_73 : vector<1xf32> to vector<1x1xf32>
    %sqrt3A_75 = math.sqrt %broadcast_in_dim3A_74 : vector<1x1xf32>
    %jit3A_76 = arith.constant 1.000000e-15 : f32
    %max3A_77 = vector.broadcast %jit3A_76 : f32 to vector<1x1xf32>
    %max3A_78 = arith.maximumf %max3A_77, %sqrt3A_75 : vector<1x1xf32>
    %gt3A = arith.constant 0.999989986 : f32
    %gt3A_79 = vector.broadcast %gt3A : f32 to vector<1x1xf32>
    %gt3A_80 = arith.cmpf ogt, %max3A_78, %gt3A_79 : vector<1x1xf32>
    %div3A_81 = vector.broadcast %max3A_78 : vector<1x1xf32> to vector<1x128xf32>
    %div3A_82 = arith.divf %div3A_70, %div3A_81 : vector<1x128xf32>
    %mul3A_83 = arith.constant 0.999989986 : f32
    %mul3A_84 = vector.broadcast %mul3A_83 : f32 to vector<1x128xf32>
    %mul3A_85 = arith.mulf %div3A_82, %mul3A_84 : vector<1x128xf32>
    %broadcast_in_dim3A_86 = vector.shape_cast %gt3A_80 : vector<1x1xi1> to vector<1x1xi1>
    %broadcast_in_dim3A_87 = vector.broadcast %broadcast_in_dim3A_86 : vector<1x1xi1> to vector<1x128xi1>
    %select_n3A = arith.select %broadcast_in_dim3A_87, %mul3A_85, %div3A_70 : vector<1x128xi1>, vector<1x128xf32>
    %mul3A_88 = arith.mulf %div3A_57, %div3A_57 : vector<64x128xf32>
    %reduce_sum3A_89 = arith.constant dense<0.000000e+00> : vector<64xf32>
    %reduce_sum3A_90 = vector.multi_reduction <add>, %mul3A_88, %reduce_sum3A_89 [1] : vector<64x128xf32> to vector<64xf32>
    %broadcast_in_dim3A_91 = vector.shape_cast %reduce_sum3A_90 : vector<64xf32> to vector<64x1xf32>
    %sqrt3A_92 = math.sqrt %broadcast_in_dim3A_91 : vector<64x1xf32>
    %jit3A_93 = arith.constant 1.000000e-15 : f32
    %max3A_94 = vector.broadcast %jit3A_93 : f32 to vector<64x1xf32>
    %max3A_95 = arith.maximumf %max3A_94, %sqrt3A_92 : vector<64x1xf32>
    %gt3A_96 = arith.constant 0.999989986 : f32
    %gt3A_97 = vector.broadcast %gt3A_96 : f32 to vector<64x1xf32>
    %gt3A_98 = arith.cmpf ogt, %max3A_95, %gt3A_97 : vector<64x1xf32>
    %div3A_99 = vector.broadcast %max3A_95 : vector<64x1xf32> to vector<64x128xf32>
    %div3A_100 = arith.divf %div3A_57, %div3A_99 : vector<64x128xf32>
    %mul3A_101 = arith.constant 0.999989986 : f32
    %mul3A_102 = vector.broadcast %mul3A_101 : f32 to vector<64x128xf32>
    %mul3A_103 = arith.mulf %div3A_100, %mul3A_102 : vector<64x128xf32>
    %broadcast_in_dim3A_104 = vector.shape_cast %gt3A_98 : vector<64x1xi1> to vector<64x1xi1>
    %broadcast_in_dim3A_105 = vector.broadcast %broadcast_in_dim3A_104 : vector<64x1xi1> to vector<64x128xi1>
    %select_n3A_106 = arith.select %broadcast_in_dim3A_105, %mul3A_103, %div3A_57 : vector<64x128xi1>, vector<64x128xf32>
    %mul3A_107 = arith.mulf %select_n3A_106, %select_n3A_106 : vector<64x128xf32>
    %reduce_sum3A_108 = arith.constant dense<0.000000e+00> : vector<64xf32>
    %reduce_sum3A_109 = vector.multi_reduction <add>, %mul3A_107, %reduce_sum3A_108 [1] : vector<64x128xf32> to vector<64xf32>
    %broadcast_in_dim3A_110 = vector.shape_cast %reduce_sum3A_109 : vector<64xf32> to vector<64x1xf32>
    %mul3A_111 = arith.mulf %select_n3A, %select_n3A : vector<1x128xf32>
    %reduce_sum3A_112 = arith.constant dense<0.000000e+00> : vector<1xf32>
    %reduce_sum3A_113 = vector.multi_reduction <add>, %mul3A_111, %reduce_sum3A_112 [1] : vector<1x128xf32> to vector<1xf32>
    %broadcast_in_dim3A_114 = vector.shape_cast %reduce_sum3A_113 : vector<1xf32> to vector<1x1xf32>
    %mul3A_115 = vector.broadcast %select_n3A : vector<1x128xf32> to vector<64x128xf32>
    %mul3A_116 = arith.mulf %select_n3A_106, %mul3A_115 : vector<64x128xf32>
    %reduce_sum3A_117 = arith.constant dense<0.000000e+00> : vector<64xf32>
    %reduce_sum3A_118 = vector.multi_reduction <add>, %mul3A_116, %reduce_sum3A_117 [1] : vector<64x128xf32> to vector<64xf32>
    %broadcast_in_dim3A_119 = vector.shape_cast %reduce_sum3A_118 : vector<64xf32> to vector<64x1xf32>
    %mul3A_120 = arith.constant 2.000000e+00 : f32
    %mul3A_121 = vector.broadcast %mul3A_120 : f32 to vector<64x1xf32>
    %mul3A_122 = arith.mulf %mul3A_121, %broadcast_in_dim3A_119 : vector<64x1xf32>
    %add3A_123 = arith.constant 1.000000e+00 : f32
    %add3A_124 = vector.broadcast %add3A_123 : f32 to vector<64x1xf32>
    %add3A_125 = arith.addf %add3A_124, %mul3A_122 : vector<64x1xf32>
    %add3A_126 = vector.broadcast %broadcast_in_dim3A_114 : vector<1x1xf32> to vector<64x1xf32>
    %add3A_127 = arith.addf %add3A_125, %add3A_126 : vector<64x1xf32>
    %mul3A_128 = vector.broadcast %add3A_127 : vector<64x1xf32> to vector<64x128xf32>
    %mul3A_129 = arith.mulf %mul3A_128, %select_n3A_106 : vector<64x128xf32>
    %sub3A_130 = arith.constant 1.000000e+00 : f32
    %sub3A_131 = vector.broadcast %sub3A_130 : f32 to vector<64x1xf32>
    %sub3A_132 = arith.subf %sub3A_131, %broadcast_in_dim3A_110 : vector<64x1xf32>
    %mul3A_133 = vector.broadcast %sub3A_132 : vector<64x1xf32> to vector<64x128xf32>
    %mul3A_134 = vector.broadcast %select_n3A : vector<1x128xf32> to vector<64x128xf32>
    %mul3A_135 = arith.mulf %mul3A_133, %mul3A_134 : vector<64x128xf32>
    %add3A_136 = arith.addf %mul3A_129, %mul3A_135 : vector<64x128xf32>
    %mul3A_137 = arith.constant 2.000000e+00 : f32
    %mul3A_138 = vector.broadcast %mul3A_137 : f32 to vector<64x1xf32>
    %mul3A_139 = arith.mulf %mul3A_138, %broadcast_in_dim3A_119 : vector<64x1xf32>
    %add3A_140 = arith.constant 1.000000e+00 : f32
    %add3A_141 = vector.broadcast %add3A_140 : f32 to vector<64x1xf32>
    %add3A_142 = arith.addf %add3A_141, %mul3A_139 : vector<64x1xf32>
    %mul3A_143 = vector.broadcast %broadcast_in_dim3A_114 : vector<1x1xf32> to vector<64x1xf32>
    %mul3A_144 = arith.mulf %broadcast_in_dim3A_110, %mul3A_143 : vector<64x1xf32>
    %add3A_145 = arith.addf %add3A_142, %mul3A_144 : vector<64x1xf32>
    %max3A_146 = arith.constant 1.000000e-15 : f32
    %max3A_147 = vector.broadcast %max3A_146 : f32 to vector<64x1xf32>
    %max3A_148 = arith.maximumf %add3A_145, %max3A_147 : vector<64x1xf32>
    %div3A_149 = vector.broadcast %max3A_148 : vector<64x1xf32> to vector<64x128xf32>
    %div3A_150 = arith.divf %add3A_136, %div3A_149 : vector<64x128xf32>
    %mul3A_151 = arith.mulf %div3A_150, %div3A_150 : vector<64x128xf32>
    %reduce_sum3A_152 = arith.constant dense<0.000000e+00> : vector<64xf32>
    %reduce_sum3A_153 = vector.multi_reduction <add>, %mul3A_151, %reduce_sum3A_152 [1] : vector<64x128xf32> to vector<64xf32>
    %broadcast_in_dim3A_154 = vector.shape_cast %reduce_sum3A_153 : vector<64xf32> to vector<64x1xf32>
    %sqrt3A_155 = math.sqrt %broadcast_in_dim3A_154 : vector<64x1xf32>
    %jit3A_156 = arith.constant 1.000000e-15 : f32
    %max3A_157 = vector.broadcast %jit3A_156 : f32 to vector<64x1xf32>
    %max3A_158 = arith.maximumf %max3A_157, %sqrt3A_155 : vector<64x1xf32>
    %gt3A_159 = arith.constant 0.999989986 : f32
    %gt3A_160 = vector.broadcast %gt3A_159 : f32 to vector<64x1xf32>
    %gt3A_161 = arith.cmpf ogt, %max3A_158, %gt3A_160 : vector<64x1xf32>
    %div3A_162 = vector.broadcast %max3A_158 : vector<64x1xf32> to vector<64x128xf32>
    %div3A_163 = arith.divf %div3A_150, %div3A_162 : vector<64x128xf32>
    %mul3A_164 = arith.constant 0.999989986 : f32
    %mul3A_165 = vector.broadcast %mul3A_164 : f32 to vector<64x128xf32>
    %mul3A_166 = arith.mulf %div3A_163, %mul3A_165 : vector<64x128xf32>
    %broadcast_in_dim3A_167 = vector.shape_cast %gt3A_161 : vector<64x1xi1> to vector<64x1xi1>
    %broadcast_in_dim3A_168 = vector.broadcast %broadcast_in_dim3A_167 : vector<64x1xi1> to vector<64x128xi1>
    %select_n3A_169 = arith.select %broadcast_in_dim3A_168, %mul3A_166, %div3A_150 : vector<64x128xi1>, vector<64x128xf32>
    %swap3A = arith.constant 0 : index
    %swap3A_170 = arith.constant 0 : index
    %swap3A_171 = vector.load %arg5[%swap3A, %swap3A_170] : memref<64x128xf32, #tpu.memory_space<vmem>>, vector<64x128xf32>
    tpu.vector_store %arg5[%swap3A, %swap3A_170], %select_n3A_169 {strides = array<i32>} : memref<64x128xf32, #tpu.memory_space<vmem>>, vector<64x128xf32>,
    return
  }
  func.func @transform_0(%arg0: i32) -> (i32, i32) {
    %c0_i32 = arith.constant 0 : i32
    %c0_i32_0 = arith.constant 0 : i32
    %c0_i32_1 = arith.constant 0 : i32
    return %c0_i32, %c0_i32_0 : i32, i32
  }
  func.func @transform_1(%arg0: i32) -> (i32, i32) {
    %c0_i32 = arith.constant 0 : i32
    %c0_i32_0 = arith.constant 0 : i32
    %c0_i32_1 = arith.constant 0 : i32
    return %c0_i32, %c0_i32_0 : i32, i32
  }
  func.func @transform_2(%arg0: i32) -> (i32, i32) {
    %c0_i32 = arith.constant 0 : i32
    %c0_i32_0 = arith.constant 0 : i32
    %c0_i32_1 = arith.constant 0 : i32
    return %c0_i32, %c0_i32_0 : i32, i32
  }
  func.func @transform_3(%arg0: i32) -> (i32, i32) {
    %c0_i32 = arith.constant 0 : i32
    %c0_i32_0 = arith.constant 0 : i32
    %c0_i32_1 = arith.constant 0 : i32
    return %c0_i32, %c0_i32_0 : i32, i32
  }
  func.func @transform_4(%arg0: i32) -> (i32, i32) {
    %c0_i32 = arith.constant 0 : i32
    %c0_i32_0 = arith.constant 0 : i32
    %c0_i32_1 = arith.constant 0 : i32
    return %c0_i32, %c0_i32_0 : i32, i32
  }
}

</mosaic_0001>

<sc_bundles>
// kernel: kernel.11.cloned.1.call-start
scs
__scs_entry_jumppad:
0x0: {  	(pc) =	sbr.rel $0x88, $3  }
0x1: {  	(tag) =	ssettag $0x0;
	lr =	simm.s32 $0x1  }
0x2: {  	[smem:$0x3F96] =	sst lr;
	_ =	strace $0xD0000000  }
0x3: {  	_ = 	snop  }
0x4: {  	_ = 	snop  }
0x5: {  	_ = 	snop  }
0x6: {  	_ = 	snop  }
0x7: {  	_ = 	snop  }
__scs_overlays_trampoline_lowered:
0x8: {  	[smem:$0x3FA5] =	sst s0  }
0x9: {  	[smem:$0x3FA6] =	sst s1  }
0xa: {  	[smem:$0x3FA7] =	sst s2  }
0xb: {  	[smem:$0x3FA8] =	sst s3  }
0xc: {  	[smem:$0x3FA9] =	sst s4  }
0xd: {  	[smem:$0x3FAA] =	sst s5  }
0xe: {  	[smem:$0x3FAB] =	sst s6  }
0xf: {  	[smem:$0x3FAC] =	sst s7  }
0x10: {  	[smem:$0x3FAD] =	sst s8  }
0x11: {  	[smem:$0x3FAE] =	sst s9;
	s0 =	simm.s32 @!p0 $0x0  }
0x12: {  	s1 =	sld [smem:$0x3F94];
	s0 =	simm.s32 @p0 $0x1  }
0x13: {  	[smem:$0x3FAF] =	sst s0;
	s0 =	simm.s32 @!p1 $0x0  }
0x14: {  	s2 =	sld [smem:$0x3F93];
	s0 =	simm.s32 @p1 $0x1  }
0x15: {  	[smem:$0x3FB0] =	sst s0;
	s0 =	simm.s32 @!p2 $0x0  }
0x16: {  	s3 =	sld [smem:$0x3FDB];
	s0 =	simm.s32 @p2 $0x1  }
0x17: {  	s4 =	simm.s32 $0x1BF5;
	[smem:$0x3FB2] =	sst s0  }
0x18: {  	s0 =	sld [smem:$0x3F95];
	_ =	swait.ge [sflag:s4], $0x0  }
0x19: {  	s7 =	sld [smem:$0x3F96]  }
0x1a: {  	s8 =	sadd.s32 $0xFFFFE003, lr  }
0x1b: {  	s9 =	sadd.s32 $0xFFFFFEF7, lr;
	s5 =	simm.s32 $0xFFFFFFFF;
	p2 =	slt.u32 s8, $0xFFFFF086  }
0x1c: {  	p1 =	slt.u32 s9, $0xF7A;
	s5 =	simm.s32 @!p2 $0x0  }
0x1d: {  	s5 =	simm.s32 @p1 $0x1;
	p0 =	seq.s32 s7, s2  }
0x1e: {  	s7 =	smul.u32 @!p0 $0xF7A, s2;
	p2 =	seq.s32 @!p0 s5, $0x0  }
0x1f: {  	s9 =	smul.u32 $0xF7A, s1;
	s8 =	simm.s32 @!p0 $0x1BF5;
	p2 =	por !p2, p0  }
0x20: {  	[sflag:s8] =	ssyncset.s32 @!p0 $0xFFFFF086;
	s6 =	sadd.s32 @!p0 s3, s7;
	s7 =	simm.s32 @!p0 $0x108  }
0x21: {  	s3 =	sadd.s32 s3, s9;
	s6 =	sadd.s32 @!p0 $0x88, s6;
	s7 =	simm.s32 @p2 $0x1082  }
0x22: {  	[simem:s7], [sflag:s8] =	dma.local @!p0 [hbm:s6], $0xF7A  }
0x23: {  	s9 =	sor.u32 $0xD0000000, s2;
	s6 =	simm.s32 $0x108;
	_ =	swait.ge @!p0 [sflag:s8], $0x0  }
0x24: {  	s3 =	sadd.s32 $0x88, s3;
	s6 =	simm.s32 @!p1 $0x1082;
	[sflag:s4] =	ssyncset.s32 $0xFFFFF086  }
0x25: {  	[simem:s6], [sflag:s4] =	dma.local [hbm:s3], $0xF7A  }
0x26: {  	[smem:$0x3F96] =	sst s1;
	(tag) =	ssettag s2;
	_ =	strace s9  }
0x27: {  	s1 =	sld [smem:$0x3FA6]  }
0x28: {  	s2 =	sld [smem:$0x3FA7]  }
0x29: {  	s4 =	sld [smem:$0x3FA9]  }
0x2a: {  	p0 =	seq.s32 s5, $0x0;
	s5 =	sld [smem:$0x3FAA]  }
0x2b: {  	s6 =	sld [smem:$0x3FAB]  }
0x2c: {  	s7 =	sld [smem:$0x3FAC]  }
0x2d: {  	s3 =	simm.s32 $0x108;
	s8 =	sld [smem:$0x3FAD]  }
0x2e: {  	s3 =	simm.s32 @!p0 $0x1082;
	s9 =	sld [smem:$0x3FAE]  }
0x2f: {  	lr =	sadd.s32 s0, s3;
	s0 =	sld [smem:$0x3FA5]  }
0x30: {  	s3 =	sld [smem:$0x3FA8]  }
0x31: {  	[smem:$0x3FB1] =	sst s10  }
0x32: {  	s10 =	sld [smem:$0x3FAF];
	_ =	sdelay $0x3  }
0x33: {  	p0 =	seq.s32 s10, $0x1;
	s10 =	sld [smem:$0x3FB1];
	_ =	sdelay $0x3  }
0x34: {  	[smem:$0x3FB1] =	sst s10  }
0x35: {  	s10 =	sld [smem:$0x3FB0];
	_ =	sdelay $0x3  }
0x36: {  	p1 =	seq.s32 s10, $0x1;
	s10 =	sld [smem:$0x3FB1];
	_ =	sdelay $0x3  }
0x37: {  	[smem:$0x3FB1] =	sst s10  }
0x38: {  	s10 =	sld [smem:$0x3FB2]  }
0x39: {  	_ = 	snop;
	(pc) =	sbr.ind lr, $3  }
0x3a: {  	_ = 	snop  }
0x3b: {  	_ = 	snop  }
0x3c: {  	p2 =	seq.s32 s10, $0x1;
	s10 =	sld [smem:$0x3FB1]  }
0x3d: {  	_ =	shalt  }
0x3e: {  	_ =	shalt  }
0x3f: {  	_ =	shalt  }
0x40: {  	_ =	shalt  }
0x41: {  	_ =	shalt  }
0x42: {  	_ =	shalt  }
0x43: {  	_ =	shalt  }
0x44: {  	_ =	shalt  }
0x45: {  	_ =	shalt  }
0x46: {  	_ =	shalt  }
0x47: {  	_ =	shalt  }
0x48: {  	_ =	shalt  }
0x49: {  	_ =	shalt  }
0x4a: {  	_ =	shalt  }
0x4b: {  	_ =	shalt  }
0x4c: {  	_ =	shalt  }
0x4d: {  	_ =	shalt  }
0x4e: {  	_ =	shalt  }
0x4f: {  	_ =	shalt  }
0x50: {  	_ =	shalt  }
0x51: {  	_ =	shalt  }
0x52: {  	_ =	shalt  }
0x53: {  	_ =	shalt  }
0x54: {  	_ =	shalt  }
0x55: {  	_ =	shalt  }
0x56: {  	_ =	shalt  }
0x57: {  	_ =	shalt  }
0x58: {  	_ =	shalt  }
0x59: {  	_ =	shalt  }
0x5a: {  	_ =	shalt  }
0x5b: {  	_ =	shalt  }
0x5c: {  	_ =	shalt  }
0x5d: {  	_ =	shalt  }
0x5e: {  	_ =	shalt  }
0x5f: {  	_ =	shalt  }
0x60: {  	_ =	shalt  }
0x61: {  	_ =	shalt  }
0x62: {  	_ =	shalt  }
0x63: {  	_ =	shalt  }
0x64: {  	_ =	shalt  }
0x65: {  	_ =	shalt  }
0x66: {  	_ =	shalt  }
0x67: {  	_ =	shalt  }
0x68: {  	_ =	shalt  }
0x69: {  	_ =	shalt  }
0x6a: {  	_ =	shalt  }
0x6b: {  	_ =	shalt  }
0x6c: {  	_ =	shalt  }
0x6d: {  	_ =	shalt  }
0x6e: {  	_ =	shalt  }
0x6f: {  	_ =	shalt  }
0x70: {  	_ =	shalt  }
0x71: {  	_ =	shalt  }
0x72: {  	_ =	shalt  }
0x73: {  	_ =	shalt  }
0x74: {  	_ =	shalt  }
0x75: {  	_ =	shalt  }
0x76: {  	_ =	shalt  }
0x77: {  	_ =	shalt  }
0x78: {  	_ =	shalt  }
0x79: {  	_ =	shalt  }
0x7a: {  	_ =	shalt  }
0x7b: {  	_ =	shalt  }
0x7c: {  	_ =	shalt  }
0x7d: {  	_ =	shalt  }
0x7e: {  	_ =	shalt  }
0x7f: {  	_ =	shalt  }
0x80: {  	_ =	shalt  }
0x81: {  	_ =	shalt  }
0x82: {  	_ =	shalt  }
0x83: {  	_ =	shalt  }
0x84: {  	_ =	shalt  }
0x85: {  	_ =	shalt  }
0x86: {  	_ =	shalt  }
0x87: {  	_ =	shalt  }
.Lfunc_end0:
.L_simem_size_0:
called_computation_lowered:
.L_overlay_start_0:
0x88: {  	s2 =	sld [smem:$0x3FD9]  }
0x89: {  	s3 =	sld [smem:$0x3FFE];
	_ =	sdelay $0x1  }
0x8a: {  	s1 =	srdreg.scid  }
0x8b: {  	s0 =	sand.u32 $0x1, s1  }
0x8c: {  	s17 =	sshll.u32 s0, $0xA;
	s2 =	sadd.s32 s3, s2  }
0x8d: {  	s2 =	sadd.s32 s2, s17  }
0x8e: {  	[smem:$0x3FBD] =	sst s2  }
0x8f: {  	_ = 	snop  }
0x90: {  	(tm) =	ssettm $0x1  }
0x91: {  	s18 =	sld [smem:$0x3FFB];
	_ =	sdelay $0x3  }
0x92: {  	_ =	strace s18  }
0x93: {  	s2 =	sld [smem:$0x3FFC];
	_ =	sdelay $0x3  }
0x94: {  	_ =	strace s2  }
0x95: {  	s2 =	sld [smem:$0x3FFD];
	_ =	sdelay $0x3  }
0x96: {  	_ =	strace s2  }
0x97: {  	_ =	strace $0x8FFFFFFF  }
0x98: {  	s19 =	sld [smem:$0x3FDB];
	_ =	sdelay $0x1  }
0x99: {  	s20 =	simm.s32 $_scs_section_size  }
0x9a: {  	s4 =	simm.s32 $_size__tile_overlayer_lowered;
	s5 =	simm.s32 $_tile_overlayer_lowered  }
0x9b: {  	s6 =	simm.s32 $0x1BFF;
	s21 =	sshll.u32 s5, $0x1;
	s3 =	sadd.s32 s20, s19  }
0x9c: {  	s22 =	simm.s32 $0x0;
	s4 =	sshll.u32 s4, $0x1;
	s5 =	sadd.s32 s21, s3  }
0x9d: {  	[timem:s22], [sflag:s6] =	dma.local [hbm:s5], s4  }
0x9e: {  	_ =	swait.ge [sflag:s6], s4  }
0x9f: {  	s4 =	ssub.s32 $0x0, s4;
	[sflag:s6] =	ssyncset.done $0x0  }
0xa0: {  	[sflag:s6] =	ssyncadd.s32 s4;
	_ =	sdelay $0x1  }
0xa1: {  	s23 =	simm.s32 $0x1B8B  }
0xa2: {  	_ =	swait.ge [sflag:s23], $0x1  }
0xa3: {  	[sflag:s23] =	ssyncset.done $0x0  }
0xa4: {  	[sflag:s23] =	ssyncadd.s32 $0xFFFFFFFF  }
0xa5: {  	s4 =	sld [smem:$0x0]  }
0xa6: {  	s5 =	sand.u32 $0xFFFFFFFE, s1  }
0xa7: {  	p0 =	sne.s32 s1, s5  }
0xa8: {  	s5 =	sshll.u32 @p0 s5, $0xE  }
0xa9: {  	s5 =	sadd.s32 @p0 $0x11B8D, s5;
	s6 =	sshll.u32 @p0 s4, $0x11  }
0xaa: {  	s5 =	sor.u32 @p0 s6, s5  }
0xab: {  	[sflag:s5] =	ssyncadd.remote.s32 @p0 $0x1;
	_ =	sdelay $0x1  }
0xac: {  	s5 =	simm.s32 @p0 $0x1B8D  }
0xad: {  	_ =	swait.eq @p0 [sflag:s5], $0x1  }
0xae: {  	[sflag:s5] =	ssyncadd.s32 @p0 $0xFFFFFFFF  }
0xaf: {  	s6 =	sshll.u32 @!p0 s1, $0xE  }
0xb0: {  	s6 =	sor.u32 @!p0 $0x4000, s6;
	s5 =	simm.s32 @!p0 $0x1B8D  }
0xb1: {  	s4 =	sshll.u32 @!p0 s4, $0x11;
	s6 =	sadd.s32 @!p0 $0x11B8D, s6;
	_ =	swait.eq @!p0 [sflag:s5], $0x1  }
0xb2: {  	s4 =	sor.u32 @!p0 s4, s6;
	[sflag:s5] =	ssyncadd.s32 @!p0 $0xFFFFFFFF  }
0xb3: {  	s25 =	simm.s32 $0x1B8E;
	s24 =	sld [smem:$0x3FFE];
	[sflag:s4] =	ssyncadd.remote.s32 @!p0 $0x1  }
0xb4: {  	s26 =	simm.s32 $execute0_lowered;
	[smem:$0x3FD2] =	sst s25  }
0xb5: {  	s5 =	sshll.u32 s26, $0x1;
	_ =	strace $0x80000049;
	[dreg:$0x1] =	wrdreg $0xFFFFFFFF  }
0xb6: {  	s28 =	simm.s32 $_size_execute0_lowered;
	s3 =	sadd.s32 s3, s5;
	[dreg:$0x0] =	wrdreg $0x0  }
0xb7: {  	s5 =	sshll.u32 s28, $0x1;
	[dreg:$0x2] =	wrdreg s3  }
0xb8: {  	[dreg:$0x3] =	wrdreg s5  }
0xb9: {  	[dreg:$0x4] =	wrdreg $0xC0  }
0xba: {  	_ =	task [dreg:s22], $0x5FFFF  }
0xbb: {  	[dreg:$0x1] =	wrdreg $0xFFFFFFFF  }
0xbc: {  	[dreg:$0x0] =	wrdreg $0x60  }
0xbd: {  	[dreg:$0x2] =	wrdreg s24  }
0xbe: {  	[dreg:$0x3] =	wrdreg $0x40800  }
0xbf: {  	[dreg:$0x4] =	wrdreg $0x9  }
0xc0: {  	_ =	task.clear_ibuf [dreg:s22], $0x5FFFF;
	_ =	strace $0x90000049  }
0xc1: {  	s29 =	simm.s32 $0x9;
	_ =	strace $0x8000004B  }
0xc2: {  	_ =	swait.ge [sflag:s29], $0x1  }
0xc3: {  	[sflag:s29] =	ssyncadd.s32 $0xFFFFFFFF  }
0xc4: {  	_ =	strace $0x9000004B  }
0xc5: {  	_ =	sfence  }
0xc6: {  	s30 =	sld [smem:$0x0];
	_ =	sdelay $0x2  }
0xc7: {  	s31 =	sshll.u32 s1, $0xD;
	s1 =	sshrl.u32 s1, $0x2  }
0xc8: {  	s4 =	sand.u32 $0x4000, s31;
	s1 =	sadd.s32 s1, s30  }
0xc9: {  	s0 =	sor.u32 s4, s0;
	s1 =	sshll.u32 s1, $0x11  }
0xca: {  	s0 =	sor.u32 s1, s0  }
0xcb: {  	s0 =	sadd.s32 $0x8F2B, s0  }
0xcc: {  	[sflag:s0] =	ssyncadd.remote.s32 $0x1  }
0xcd: {  	_ =	sfence.sel $0xFFFF  }
0xce: {  	[dreg:$0x0] =	wrdreg $0xFFFFFFFF;
	(pc) =	sbr.abs _section_cstart, $3  }
0xcf: {  	[dreg:$0x1] =	wrdreg $0xFFFFFFFF  }
0xd0: {  	_ =	task.clear_ibuf [dreg:s22], $0x2FFFF;
	_ =	strace $0x9FFFFFFF  }
0xd1: {  	(tm) =	ssettm $0x7FFFFFFF  }
tec
execute0_lowered:
.L_overlay_start_1:
0x0: {  	(tag) =	ssettag $0x1  }
0x1: {  	s5 =	rddreg [dreg:$0x0]  }
0x2: {  	s2 =	rddreg [dreg:$0x1]  }
0x3: {  	s0 =	rddreg [dreg:$0x2];
	s1 =	stileid.u32  }
0x4: {  	s6 =	srdreg.scid;
	s3 =	simm.s32 $0x0;
	s4 =	smul.u32 $0x9E0, s1  }
0x5: {  	s13 =	simm.s32 $0x0;
	s7 =	smul.u32 $0x13C00, s1;
	s6 =	sand.u32 $0x1, s6  }
0x6: {  	[smem:$0x7FF] =	sst s3;
	s11 =	smul.u32 $0x4F000, s1;
	s30 =	sshll.u32 s1, $0x6  }
0x7: {  	s8 =	smul.u32 $0x13C000, s6;
	_ =	strace $0x8000004A;
	s25 =	ssub.s32 $0x2, s6  }
0x8: {  	s29 =	smul.u32 $0x4F0, s6;
	s6 =	sor.u32 $0x1C01, s30;
	s9 =	sshrl.u32 s7, $0x3  }
0x9: {  	s10 =	sadd.s32 s4, s5;
	s4 =	sadd.s32 $0xB4A00, s5;
	s26 =	sshrl.u32 s25, $0x1  }
0xa: {  	s28 =	sshrl.u32 s11, $0x2;
	s11 =	simm.s32 $0x1;
	s9 =	sadd.s32 s9, s5  }
0xb: {  	s24 =	sadd.s32 s7, s8;
	s8 =	ssub.s32 s25, s26;
	s12 =	sadd.s32 s28, s2  }
0xc: {  	s31 =	sadd.s32 s29, s10;
	s7 =	sshrl.u32 s24, $0x3;
	s8 =	smax.u32 s8, $0x1  }
0xd: {  	s10 =	sshrl.u32 s12, $0x3;
	s12 =	simm.s32 $0x80;
	s7 =	sadd.s32 s7, s5  }
0xe: {  	s5 =	sadd.s32 $0x3E200, s9;
	s9 =	sadd.s32 $0x3400, s31;
	s7 =	sadd.s32 $0xB5200, s7  }
.LBB2_1:
0xf: {  	[spmem:s10], [sflag:s6] =	dma.local [hbm:s5], $0x2780  }
0x10: {  	_ =	swait.ge [sflag:s11], $0x2780  }
0x11: {  	[sflag:s11] =	ssyncset.done $0x0  }
0x12: {  	[sflag:s11] =	ssyncadd.s32 $0xFFFFD880  }
0x13: {  	[tilespmem:s12], [sflag:$0x1] =	stream.linear.gather [hbm4b:s4+s3], $0x4000, $0x38;
	[tilespmem:$0x17C80] =	vst v63  }
0x14: {  	_ =	swait.ge [sflag:s11], $0x4000  }
0x15: {  	[sflag:s11] =	ssyncset.done $0x0  }
0x16: {  	[sflag:s11] =	ssyncadd.s32 $0xFFFFC000  }
0x17: {  	s14 =	sadd.s32 $0x0, s9;
	[bflag:$0x0] =	sbarrier.arrive $0xFFFF  }
0x18: {  	[tilespmem:s3], [sflag:$0x1] =	stream.linear.gather [hbm4b:s14+s3], $0x80, $0x38;
	[tilespmem:$0x17C80] =	vst v63  }
0x19: {  	_ =	swait.ge [sflag:s11], $0x80  }
0x1a: {  	[sflag:s11] =	ssyncset.done $0x0  }
0x1b: {  	[sflag:s11] =	ssyncadd.s32 $0xFFFFFF80  }
0x1c: {  	[spmem:s2] =	stream.indirect.scatter.add.f32 [tilespmem:s12], [sflag:$0x1], $0x80, s3, s12, $0xb8;
	[tilespmem:$0x17C80] =	vst v63  }
0x1d: {  	_ =	swait.ge [sflag:s11], $0x4000  }
0x1e: {  	s15 =	simm.s32 $0x20;
	s14 =	simm.s32 $0x10;
	[sflag:s11] =	ssyncset.done $0x0  }
.LBB2_2:
0x1f: {  	s16 =	sadd.s32 s14, s9  }
0x20: {  	[sflag:s11] =	ssyncadd.s32 $0xFFFFC000;
	s14 =	smov.u32 s15;
	s17 =	sadd.s32 $0x10, s15  }
0x21: {  	[tilespmem:s3], [sflag:$0x1] =	stream.linear.gather [hbm4b:s16+s3], $0x80, $0x38;
	[tilespmem:$0x17C80] =	vst v63  }
0x22: {  	p0 =	sne.s32 s15, $0x4E0;
	_ =	swait.ge [sflag:s11], $0x80  }
.Ltmp0:
0x23: {  	[sflag:s11] =	ssyncset.done $0x0;
	(pc) =	sbr.rel @p0 .LBB2_2-.Ltmp0, $4  }
0x24: {  	[sflag:s11] =	ssyncadd.s32 $0xFFFFFF80  }
0x25: {  	[spmem:s2] =	stream.indirect.scatter.add.f32 [tilespmem:s12], [sflag:$0x1], $0x80, s3, s12, $0xb8;
	[tilespmem:$0x17C80] =	vst v63  }
0x26: {  	_ =	swait.ge [sflag:s11], $0x4000  }
0x27: {  	s15 =	smov.u32 s17;
	[sflag:s11] =	ssyncset.done $0x0  }
0x28: {  	s14 =	sadd.s32 s14, s9;
	[sflag:s11] =	ssyncadd.s32 $0xFFFFC000  }
0x29: {  	[tilespmem:s3], [sflag:$0x1] =	stream.linear.gather [hbm4b:s14+s3], $0x80, $0x38;
	[tilespmem:$0x17C80] =	vst v63  }
0x2a: {  	_ =	swait.ge [sflag:s11], $0x80  }
0x2b: {  	[sflag:s11] =	ssyncset.done $0x0  }
0x2c: {  	[sflag:s11] =	ssyncadd.s32 $0xFFFFFF80  }
0x2d: {  	[spmem:s2] =	stream.indirect.scatter.add.f32 [tilespmem:s12], [sflag:$0x1], $0x80, s3, s12, $0xb8;
	[tilespmem:$0x17C80] =	vst v63  }
0x2e: {  	_ =	swait.ge [sflag:s11], $0x4000  }
0x2f: {  	s13 =	sadd.s32 $0x1, s13;
	[sflag:s11] =	ssyncset.done $0x0  }
0x30: {  	p0 =	sne.s32 s13, s8;
	[sflag:s11] =	ssyncadd.s32 $0xFFFFC000  }
.Ltmp1:
0x31: {  	[bflag:$0x0] =	sbarrier.arrive $0xFFFF;
	(pc) =	sbr.rel @p0 .LBB2_1-.Ltmp1, $4  }
0x32: {  	[hbm:s7], [sflag:s6] =	dma.local [spmem:s10], $0x2780  }
0x33: {  	_ =	swait.ge [sflag:s11], $0x2780  }
0x34: {  	[sflag:s11] =	ssyncset.done $0x0  }
0x35: {  	[sflag:s11] =	ssyncadd.s32 $0xFFFFD880  }
0x36: {  	_ =	sfence.sel $0x180000  }
0x37: {  	[bflag:$0x0] =	sbarrier.arrive $0xFFFF  }
0x38: {  	p0 =	sne.s32 s1, $0x0;
	_ =	strace $0x9000004A  }
0x39: {  	s0 =	sadd.s32 @!p0 $0x100000, s0;
	[bflag:$0x2] =	sbarrier.arrive $0xFFFF  }
0x3a: {  	[sflag:s0] =	ssyncadd.tile.s32 @!p0 $0x1;
	_ =	shalt  }
.Lfunc_end2:
_tile_overlayer_lowered:
.L_overlay_start_2:
0x3b: {  	(tag) =	ssettag $0x2  }
0x3c: {  	s0 =	rddreg [dreg:$0x0];
	s2 =	stileid.u32  }
0x3d: {  	s1 =	rddreg [dreg:$0x1];
	p0 =	sne.s32 s2, $0x0  }
0x3e: {  	s3 =	rddreg [dreg:$0x2];
	[bflag:$0x3] =	sbarrier.arrive $0xFFFF;
	s2 =	simm.s32 @!p0 $0x1C01  }
0x3f: {  	[timem:s3], [sflag:s2] =	dma.local @!p0 [hbm:s0], s1  }
0x40: {  	s0 =	simm.s32 @!p0 $0x1  }
0x41: {  	_ =	swait.ge @!p0 [sflag:s0], s1  }
0x42: {  	s1 =	ssub.s32 @!p0 $0x0, s1;
	[sflag:s0] =	ssyncset.done @!p0 $0x0  }
0x43: {  	[sflag:s0] =	ssyncadd.s32 @!p0 s1  }
0x44: {  	[bflag:$0x3] =	sbarrier.arrive $0xFFFF  }
0x45: {  	_ =	shalt  }

// kernel: kernel.14.cloned.1.call-start
scs
__scs_entry_jumppad:
0x0: {  	(pc) =	sbr.rel $0x88, $3  }
0x1: {  	(tag) =	ssettag $0x0;
	lr =	simm.s32 $0x1  }
0x2: {  	[smem:$0x3F96] =	sst lr;
	_ =	strace $0xD0000000  }
0x3: {  	_ = 	snop  }
0x4: {  	_ = 	snop  }
0x5: {  	_ = 	snop  }
0x6: {  	_ = 	snop  }
0x7: {  	_ = 	snop  }
__scs_overlays_trampoline_lowered:
0x8: {  	[smem:$0x3FA5] =	sst s0  }
0x9: {  	[smem:$0x3FA6] =	sst s1  }
0xa: {  	[smem:$0x3FA7] =	sst s2  }
0xb: {  	[smem:$0x3FA8] =	sst s3  }
0xc: {  	[smem:$0x3FA9] =	sst s4  }
0xd: {  	[smem:$0x3FAA] =	sst s5  }
0xe: {  	[smem:$0x3FAB] =	sst s6  }
0xf: {  	[smem:$0x3FAC] =	sst s7  }
0x10: {  	[smem:$0x3FAD] =	sst s8  }
0x11: {  	[smem:$0x3FAE] =	sst s9;
	s0 =	simm.s32 @!p0 $0x0  }
0x12: {  	s1 =	sld [smem:$0x3F94];
	s0 =	simm.s32 @p0 $0x1  }
0x13: {  	[smem:$0x3FAF] =	sst s0;
	s0 =	simm.s32 @!p1 $0x0  }
0x14: {  	s2 =	sld [smem:$0x3F93];
	s0 =	simm.s32 @p1 $0x1  }
0x15: {  	[smem:$0x3FB0] =	sst s0;
	s0 =	simm.s32 @!p2 $0x0  }
0x16: {  	s3 =	sld [smem:$0x3FDB];
	s0 =	simm.s32 @p2 $0x1  }
0x17: {  	s4 =	simm.s32 $0x1BF5;
	[smem:$0x3FB2] =	sst s0  }
0x18: {  	s0 =	sld [smem:$0x3F95];
	_ =	swait.ge [sflag:s4], $0x0  }
0x19: {  	s7 =	sld [smem:$0x3F96]  }
0x1a: {  	s8 =	sadd.s32 $0xFFFFE003, lr  }
0x1b: {  	s9 =	sadd.s32 $0xFFFFFEF7, lr;
	s5 =	simm.s32 $0xFFFFFFFF;
	p2 =	slt.u32 s8, $0xFFFFF086  }
0x1c: {  	p1 =	slt.u32 s9, $0xF7A;
	s5 =	simm.s32 @!p2 $0x0  }
0x1d: {  	s5 =	simm.s32 @p1 $0x1;
	p0 =	seq.s32 s7, s2  }
0x1e: {  	s7 =	smul.u32 @!p0 $0xF7A, s2;
	p2 =	seq.s32 @!p0 s5, $0x0  }
0x1f: {  	s9 =	smul.u32 $0xF7A, s1;
	s8 =	simm.s32 @!p0 $0x1BF5;
	p2 =	por !p2, p0  }
0x20: {  	[sflag:s8] =	ssyncset.s32 @!p0 $0xFFFFF086;
	s6 =	sadd.s32 @!p0 s3, s7;
	s7 =	simm.s32 @!p0 $0x108  }
0x21: {  	s3 =	sadd.s32 s3, s9;
	s6 =	sadd.s32 @!p0 $0x88, s6;
	s7 =	simm.s32 @p2 $0x1082  }
0x22: {  	[simem:s7], [sflag:s8] =	dma.local @!p0 [hbm:s6], $0xF7A  }
0x23: {  	s9 =	sor.u32 $0xD0000000, s2;
	s6 =	simm.s32 $0x108;
	_ =	swait.ge @!p0 [sflag:s8], $0x0  }
0x24: {  	s3 =	sadd.s32 $0x88, s3;
	s6 =	simm.s32 @!p1 $0x1082;
	[sflag:s4] =	ssyncset.s32 $0xFFFFF086  }
0x25: {  	[simem:s6], [sflag:s4] =	dma.local [hbm:s3], $0xF7A  }
0x26: {  	[smem:$0x3F96] =	sst s1;
	(tag) =	ssettag s2;
	_ =	strace s9  }
0x27: {  	s1 =	sld [smem:$0x3FA6]  }
0x28: {  	s2 =	sld [smem:$0x3FA7]  }
0x29: {  	s4 =	sld [smem:$0x3FA9]  }
0x2a: {  	p0 =	seq.s32 s5, $0x0;
	s5 =	sld [smem:$0x3FAA]  }
0x2b: {  	s6 =	sld [smem:$0x3FAB]  }
0x2c: {  	s7 =	sld [smem:$0x3FAC]  }
0x2d: {  	s3 =	simm.s32 $0x108;
	s8 =	sld [smem:$0x3FAD]  }
0x2e: {  	s3 =	simm.s32 @!p0 $0x1082;
	s9 =	sld [smem:$0x3FAE]  }
0x2f: {  	lr =	sadd.s32 s0, s3;
	s0 =	sld [smem:$0x3FA5]  }
0x30: {  	s3 =	sld [smem:$0x3FA8]  }
0x31: {  	[smem:$0x3FB1] =	sst s10  }
0x32: {  	s10 =	sld [smem:$0x3FAF];
	_ =	sdelay $0x3  }
0x33: {  	p0 =	seq.s32 s10, $0x1;
	s10 =	sld [smem:$0x3FB1];
	_ =	sdelay $0x3  }
0x34: {  	[smem:$0x3FB1] =	sst s10  }
0x35: {  	s10 =	sld [smem:$0x3FB0];
	_ =	sdelay $0x3  }
0x36: {  	p1 =	seq.s32 s10, $0x1;
	s10 =	sld [smem:$0x3FB1];
	_ =	sdelay $0x3  }
0x37: {  	[smem:$0x3FB1] =	sst s10  }
0x38: {  	s10 =	sld [smem:$0x3FB2]  }
0x39: {  	_ = 	snop;
	(pc) =	sbr.ind lr, $3  }
0x3a: {  	_ = 	snop  }
0x3b: {  	_ = 	snop  }
0x3c: {  	p2 =	seq.s32 s10, $0x1;
	s10 =	sld [smem:$0x3FB1]  }
0x3d: {  	_ =	shalt  }
0x3e: {  	_ =	shalt  }
0x3f: {  	_ =	shalt  }
0x40: {  	_ =	shalt  }
0x41: {  	_ =	shalt  }
0x42: {  	_ =	shalt  }
0x43: {  	_ =	shalt  }
0x44: {  	_ =	shalt  }
0x45: {  	_ =	shalt  }
0x46: {  	_ =	shalt  }
0x47: {  	_ =	shalt  }
0x48: {  	_ =	shalt  }
0x49: {  	_ =	shalt  }
0x4a: {  	_ =	shalt  }
0x4b: {  	_ =	shalt  }
0x4c: {  	_ =	shalt  }
0x4d: {  	_ =	shalt  }
0x4e: {  	_ =	shalt  }
0x4f: {  	_ =	shalt  }
0x50: {  	_ =	shalt  }
0x51: {  	_ =	shalt  }
0x52: {  	_ =	shalt  }
0x53: {  	_ =	shalt  }
0x54: {  	_ =	shalt  }
0x55: {  	_ =	shalt  }
0x56: {  	_ =	shalt  }
0x57: {  	_ =	shalt  }
0x58: {  	_ =	shalt  }
0x59: {  	_ =	shalt  }
0x5a: {  	_ =	shalt  }
0x5b: {  	_ =	shalt  }
0x5c: {  	_ =	shalt  }
0x5d: {  	_ =	shalt  }
0x5e: {  	_ =	shalt  }
0x5f: {  	_ =	shalt  }
0x60: {  	_ =	shalt  }
0x61: {  	_ =	shalt  }
0x62: {  	_ =	shalt  }
0x63: {  	_ =	shalt  }
0x64: {  	_ =	shalt  }
0x65: {  	_ =	shalt  }
0x66: {  	_ =	shalt  }
0x67: {  	_ =	shalt  }
0x68: {  	_ =	shalt  }
0x69: {  	_ =	shalt  }
0x6a: {  	_ =	shalt  }
0x6b: {  	_ =	shalt  }
0x6c: {  	_ =	shalt  }
0x6d: {  	_ =	shalt  }
0x6e: {  	_ =	shalt  }
0x6f: {  	_ =	shalt  }
0x70: {  	_ =	shalt  }
0x71: {  	_ =	shalt  }
0x72: {  	_ =	shalt  }
0x73: {  	_ =	shalt  }
0x74: {  	_ =	shalt  }
0x75: {  	_ =	shalt  }
0x76: {  	_ =	shalt  }
0x77: {  	_ =	shalt  }
0x78: {  	_ =	shalt  }
0x79: {  	_ =	shalt  }
0x7a: {  	_ =	shalt  }
0x7b: {  	_ =	shalt  }
0x7c: {  	_ =	shalt  }
0x7d: {  	_ =	shalt  }
0x7e: {  	_ =	shalt  }
0x7f: {  	_ =	shalt  }
0x80: {  	_ =	shalt  }
0x81: {  	_ =	shalt  }
0x82: {  	_ =	shalt  }
0x83: {  	_ =	shalt  }
0x84: {  	_ =	shalt  }
0x85: {  	_ =	shalt  }
0x86: {  	_ =	shalt  }
0x87: {  	_ =	shalt  }
.Lfunc_end0:
.L_simem_size_0:
called_computation.1_lowered:
.L_overlay_start_0:
0x88: {  	s2 =	sld [smem:$0x3FD9]  }
0x89: {  	s3 =	sld [smem:$0x3FFE];
	_ =	sdelay $0x1  }
0x8a: {  	s1 =	srdreg.scid  }
0x8b: {  	s0 =	sand.u32 $0x1, s1  }
0x8c: {  	s16 =	sshll.u32 s0, $0xA;
	s2 =	sadd.s32 s3, s2  }
0x8d: {  	s2 =	sadd.s32 s2, s16  }
0x8e: {  	[smem:$0x3FBD] =	sst s2  }
0x8f: {  	_ = 	snop  }
0x90: {  	(tm) =	ssettm $0x1  }
0x91: {  	s17 =	sld [smem:$0x3FFB];
	_ =	sdelay $0x3  }
0x92: {  	_ =	strace s17  }
0x93: {  	s2 =	sld [smem:$0x3FFC];
	_ =	sdelay $0x3  }
0x94: {  	_ =	strace s2  }
0x95: {  	s2 =	sld [smem:$0x3FFD];
	_ =	sdelay $0x3  }
0x96: {  	_ =	strace s2  }
0x97: {  	_ =	strace $0x8FFFFFFF  }
0x98: {  	s18 =	sld [smem:$0x3FDB];
	_ =	sdelay $0x1  }
0x99: {  	s19 =	simm.s32 $_scs_section_size  }
0x9a: {  	s4 =	simm.s32 $_size__tile_overlayer_lowered;
	s5 =	simm.s32 $_tile_overlayer_lowered  }
0x9b: {  	s22 =	simm.s32 $0x1BFF;
	s21 =	sshll.u32 s5, $0x1;
	s2 =	sadd.s32 s19, s18  }
0x9c: {  	s6 =	simm.s32 $0x0;
	s20 =	sshll.u32 s4, $0x1;
	s4 =	sadd.s32 s21, s2  }
0x9d: {  	[timem:s6], [sflag:s22] =	dma.local [hbm:s4], s20  }
0x9e: {  	_ =	swait.ge [sflag:s22], s20  }
0x9f: {  	s3 =	ssub.s32 $0x0, s20;
	[sflag:s22] =	ssyncset.done $0x0  }
0xa0: {  	[sflag:s22] =	ssyncadd.s32 s3;
	_ =	sdelay $0x1  }
0xa1: {  	s23 =	simm.s32 $0x1B8B  }
0xa2: {  	_ =	swait.ge [sflag:s23], $0x1  }
0xa3: {  	[sflag:s23] =	ssyncset.done $0x0  }
0xa4: {  	s25 =	simm.s32 $0x1B8E;
	s24 =	sld [smem:$0x3FFE];
	[sflag:s23] =	ssyncadd.s32 $0xFFFFFFFF  }
0xa5: {  	s26 =	simm.s32 $execute0_lowered;
	[smem:$0x3FD2] =	sst s25  }
0xa6: {  	s4 =	sshll.u32 s26, $0x1;
	_ =	strace $0x80000046;
	[dreg:$0x1] =	wrdreg $0xFFFFFFFF  }
0xa7: {  	s28 =	simm.s32 $_size_execute0_lowered;
	s2 =	sadd.s32 s2, s4;
	[dreg:$0x0] =	wrdreg $0x0  }
0xa8: {  	s4 =	sshll.u32 s28, $0x1;
	[dreg:$0x2] =	wrdreg s2  }
0xa9: {  	[dreg:$0x3] =	wrdreg s4  }
0xaa: {  	[dreg:$0x4] =	wrdreg $0xC0  }
0xab: {  	_ =	task [dreg:s6], $0x5FFFF  }
0xac: {  	[dreg:$0x1] =	wrdreg $0xFFFFFFFF  }
0xad: {  	[dreg:$0x0] =	wrdreg $0x60  }
0xae: {  	[dreg:$0x2] =	wrdreg s24  }
0xaf: {  	[dreg:$0x3] =	wrdreg $0x41000  }
0xb0: {  	[dreg:$0x4] =	wrdreg $0xA  }
0xb1: {  	_ =	task.clear_ibuf [dreg:s6], $0x5FFFF;
	_ =	strace $0x90000046  }
0xb2: {  	s29 =	simm.s32 $0xA;
	_ =	strace $0x80000048  }
0xb3: {  	_ =	swait.ge [sflag:s29], $0x1  }
0xb4: {  	[sflag:s29] =	ssyncadd.s32 $0xFFFFFFFF  }
0xb5: {  	_ =	strace $0x90000048  }
0xb6: {  	_ =	sfence  }
0xb7: {  	s30 =	sld [smem:$0x0];
	_ =	sdelay $0x2  }
0xb8: {  	s31 =	sshll.u32 s1, $0xD;
	s1 =	sshrl.u32 s1, $0x2  }
0xb9: {  	s3 =	sand.u32 $0x4000, s31;
	s1 =	sadd.s32 s1, s30  }
0xba: {  	s0 =	sor.u32 s3, s0;
	s1 =	sshll.u32 s1, $0x11  }
0xbb: {  	s0 =	sor.u32 s1, s0  }
0xbc: {  	s0 =	sadd.s32 $0x8F2B, s0  }
0xbd: {  	[sflag:s0] =	ssyncadd.remote.s32 $0x1  }
0xbe: {  	_ =	sfence.sel $0xFFFF  }
0xbf: {  	[dreg:$0x0] =	wrdreg $0xFFFFFFFF;
	(pc) =	sbr.abs _section_cstart, $3  }
0xc0: {  	[dreg:$0x1] =	wrdreg $0xFFFFFFFF  }
0xc1: {  	_ =	task.clear_ibuf [dreg:s6], $0x2FFFF;
	_ =	strace $0x9FFFFFFF  }
0xc2: {  	(tm) =	ssettm $0x7FFFFFFF  }
0xc3: {  	_ =	shalt  }
tec
execute0_lowered:
.L_overlay_start_1:
0x0: {  	(tag) =	ssettag $0x1  }
0x1: {  	s5 =	rddreg [dreg:$0x0]  }
0x2: {  	s2 =	rddreg [dreg:$0x1]  }
0x3: {  	s0 =	rddreg [dreg:$0x2];
	s1 =	stileid.u32  }
0x4: {  	s4 =	srdreg.scid;
	s3 =	simm.s32 $0x0;
	s12 =	simm.s32 $0x2  }
0x5: {  	s13 =	simm.s32 $0x80;
	s14 =	simm.s32 $0x100;
	s6 =	smul.u32 $0x9E0, s1  }
0x6: {  	s15 =	simm.s32 $0x1;
	s16 =	simm.s32 $0x0;
	s7 =	smul.u32 $0x13C00, s1  }
0x7: {  	s8 =	sand.u32 $0x1, s4;
	[smem:$0x7FF] =	sst s3;
	s11 =	smul.u32 $0x4F000, s1  }
0x8: {  	s4 =	sadd.s32 $0x17000, s5;
	s31 =	sshll.u32 s1, $0x6;
	s9 =	smul.u32 $0x13C000, s8  }
0x9: {  	_ =	strace $0x80000047;
	s28 =	ssub.s32 $0x2, s8;
	s8 =	smul.u32 $0x4F0, s8  }
0xa: {  	s10 =	sadd.s32 s6, s5;
	s26 =	sshrl.u32 s7, $0x3;
	s29 =	sshrl.u32 s28, $0x1  }
0xb: {  	s30 =	sshrl.u32 s11, $0x2;
	s7 =	sadd.s32 s7, s9;
	s6 =	sadd.s32 s26, s5  }
0xc: {  	s9 =	ssub.s32 s28, s29;
	s11 =	sadd.s32 s30, s2;
	s10 =	sadd.s32 s8, s10  }
0xd: {  	s7 =	sshrl.u32 s7, $0x3;
	s8 =	smax.u32 s9, $0x1;
	s9 =	sadd.s32 $0x3400, s10  }
0xe: {  	s10 =	sadd.s32 $0xD200, s10;
	s11 =	sshrl.u32 s11, $0x3;
	s7 =	sadd.s32 s7, s5  }
0xf: {  	s5 =	sadd.s32 $0x3E200, s6;
	s6 =	sor.u32 $0x1C02, s31;
	s7 =	sadd.s32 $0x65A00, s7  }
.LBB2_1:
0x10: {  	[spmem:s11], [sflag:s6] =	dma.local [hbm:s5], $0x2780  }
0x11: {  	_ =	swait.ge [sflag:s12], $0x2780  }
0x12: {  	[sflag:s12] =	ssyncset.done $0x0  }
0x13: {  	[sflag:s12] =	ssyncadd.s32 $0xFFFFD880  }
0x14: {  	s17 =	sadd.s32 $0x0, s10;
	[bflag:$0x0] =	sbarrier.arrive $0xFFFF  }
0x15: {  	[tilespmem:s3], [sflag:$0x2] =	stream.linear.gather [hbm4b:s17+s3], $0x80, $0x38;
	[tilespmem:$0x17D00] =	vst v63  }
0x16: {  	_ =	swait.ge [sflag:s12], $0x80  }
0x17: {  	[sflag:s12] =	ssyncset.done $0x0  }
0x18: {  	s31 =	sadd.s32 $0x0, s9;
	[sflag:s12] =	ssyncadd.s32 $0xFFFFFF80  }
0x19: {  	[tilespmem:s13], [sflag:$0x2] =	stream.linear.gather [hbm4b:s31+s3], $0x80, $0x38;
	[tilespmem:$0x17D00] =	vst v63  }
0x1a: {  	_ =	swait.ge [sflag:s12], $0x80  }
0x1b: {  	[sflag:s12] =	ssyncset.done $0x0  }
0x1c: {  	[sflag:s12] =	ssyncadd.s32 $0xFFFFFF80  }
0x1d: {  	[tilespmem:s14], [sflag:$0x1] =	stream.indirect.gather [hbm4b:s4+s13], $0x80, s3, s13, $0xb8;
	[tilespmem:$0x17D00] =	vst v63  }
0x1e: {  	_ =	swait.ge [sflag:s15], $0x4000  }
0x1f: {  	[sflag:s15] =	ssyncset.done $0x0  }
0x20: {  	[sflag:s15] =	ssyncadd.s32 $0xFFFFC000  }
0x21: {  	[spmem:s2] =	stream.indirect.scatter.add.f32 [tilespmem:s14], [sflag:$0x2], $0x80, s13, s13, $0xb8;
	[tilespmem:$0x17D00] =	vst v63  }
0x22: {  	_ =	swait.ge [sflag:s12], $0x4000  }
0x23: {  	s18 =	simm.s32 $0x20;
	s17 =	simm.s32 $0x10;
	[sflag:s12] =	ssyncset.done $0x0  }
.LBB2_2:
0x24: {  	s19 =	sadd.s32 s17, s10  }
0x25: {  	[sflag:s12] =	ssyncadd.s32 $0xFFFFC000;
	s20 =	smov.u32 s18;
	s21 =	sadd.s32 $0x10, s18  }
0x26: {  	[tilespmem:s3], [sflag:$0x2] =	stream.linear.gather [hbm4b:s19+s3], $0x80, $0x38;
	[tilespmem:$0x17D00] =	vst v63  }
0x27: {  	p0 =	sne.s32 s18, $0x4E0;
	_ =	swait.ge [sflag:s12], $0x80  }
0x28: {  	[sflag:s12] =	ssyncset.done $0x0  }
0x29: {  	s18 =	sadd.s32 s17, s9;
	s17 =	smov.u32 s20;
	[sflag:s12] =	ssyncadd.s32 $0xFFFFFF80  }
0x2a: {  	[tilespmem:s13], [sflag:$0x2] =	stream.linear.gather [hbm4b:s18+s3], $0x80, $0x38;
	[tilespmem:$0x17D00] =	vst v63  }
0x2b: {  	_ =	swait.ge [sflag:s12], $0x80  }
0x2c: {  	[sflag:s12] =	ssyncset.done $0x0  }
0x2d: {  	[sflag:s12] =	ssyncadd.s32 $0xFFFFFF80  }
0x2e: {  	[tilespmem:s14], [sflag:$0x1] =	stream.indirect.gather [hbm4b:s4+s13], $0x80, s3, s13, $0xb8;
	[tilespmem:$0x17D00] =	vst v63  }
0x2f: {  	_ =	swait.ge [sflag:s15], $0x4000  }
.Ltmp0:
0x30: {  	[sflag:s15] =	ssyncset.done $0x0;
	(pc) =	sbr.rel @p0 .LBB2_2-.Ltmp0, $4  }
0x31: {  	[sflag:s15] =	ssyncadd.s32 $0xFFFFC000  }
0x32: {  	[spmem:s2] =	stream.indirect.scatter.add.f32 [tilespmem:s14], [sflag:$0x2], $0x80, s13, s13, $0xb8;
	[tilespmem:$0x17D00] =	vst v63  }
0x33: {  	_ =	swait.ge [sflag:s12], $0x4000  }
0x34: {  	s18 =	smov.u32 s21;
	[sflag:s12] =	ssyncset.done $0x0  }
0x35: {  	s18 =	sadd.s32 s17, s10;
	[sflag:s12] =	ssyncadd.s32 $0xFFFFC000  }
0x36: {  	[tilespmem:s3], [sflag:$0x2] =	stream.linear.gather [hbm4b:s18+s3], $0x80, $0x38;
	[tilespmem:$0x17D00] =	vst v63  }
0x37: {  	_ =	swait.ge [sflag:s12], $0x80  }
0x38: {  	[sflag:s12] =	ssyncset.done $0x0  }
0x39: {  	s31 =	sadd.s32 s17, s9;
	[sflag:s12] =	ssyncadd.s32 $0xFFFFFF80  }
0x3a: {  	[tilespmem:s13], [sflag:$0x2] =	stream.linear.gather [hbm4b:s31+s3], $0x80, $0x38;
	[tilespmem:$0x17D00] =	vst v63  }
0x3b: {  	_ =	swait.ge [sflag:s12], $0x80  }
0x3c: {  	[sflag:s12] =	ssyncset.done $0x0  }
0x3d: {  	[sflag:s12] =	ssyncadd.s32 $0xFFFFFF80  }
0x3e: {  	[tilespmem:s14], [sflag:$0x1] =	stream.indirect.gather [hbm4b:s4+s13], $0x80, s3, s13, $0xb8;
	[tilespmem:$0x17D00] =	vst v63  }
0x3f: {  	_ =	swait.ge [sflag:s15], $0x4000  }
0x40: {  	[sflag:s15] =	ssyncset.done $0x0  }
0x41: {  	[sflag:s15] =	ssyncadd.s32 $0xFFFFC000  }
0x42: {  	[spmem:s2] =	stream.indirect.scatter.add.f32 [tilespmem:s14], [sflag:$0x2], $0x80, s13, s13, $0xb8;
	[tilespmem:$0x17D00] =	vst v63  }
0x43: {  	_ =	swait.ge [sflag:s12], $0x4000  }
0x44: {  	s16 =	sadd.s32 $0x1, s16;
	[sflag:s12] =	ssyncset.done $0x0  }
0x45: {  	p0 =	sne.s32 s16, s8;
	[sflag:s12] =	ssyncadd.s32 $0xFFFFC000  }
.Ltmp1:
0x46: {  	[bflag:$0x0] =	sbarrier.arrive $0xFFFF;
	(pc) =	sbr.rel @p0 .LBB2_1-.Ltmp1, $4  }
0x47: {  	[hbm:s7], [sflag:s6] =	dma.local [spmem:s11], $0x2780  }
0x48: {  	_ =	swait.ge [sflag:s12], $0x2780  }
0x49: {  	[sflag:s12] =	ssyncset.done $0x0  }
0x4a: {  	[sflag:s12] =	ssyncadd.s32 $0xFFFFD880  }
0x4b: {  	_ =	sfence.sel $0x180000  }
0x4c: {  	[bflag:$0x0] =	sbarrier.arrive $0xFFFF  }
0x4d: {  	p0 =	sne.s32 s1, $0x0;
	_ =	strace $0x90000047  }
0x4e: {  	s0 =	sadd.s32 @!p0 $0x100000, s0;
	[bflag:$0x2] =	sbarrier.arrive $0xFFFF  }
0x4f: {  	[sflag:s0] =	ssyncadd.tile.s32 @!p0 $0x1;
	_ =	shalt  }
.Lfunc_end2:
_tile_overlayer_lowered:
.L_overlay_start_2:
0x50: {  	(tag) =	ssettag $0x2  }
0x51: {  	s0 =	rddreg [dreg:$0x0];
	s2 =	stileid.u32  }
0x52: {  	s1 =	rddreg [dreg:$0x1];
	p0 =	sne.s32 s2, $0x0  }
0x53: {  	s3 =	rddreg [dreg:$0x2];
	[bflag:$0x3] =	sbarrier.arrive $0xFFFF;
	s2 =	simm.s32 @!p0 $0x1C02  }
0x54: {  	[timem:s3], [sflag:s2] =	dma.local @!p0 [hbm:s0], s1  }
0x55: {  	s0 =	simm.s32 @!p0 $0x2  }
0x56: {  	_ =	swait.ge @!p0 [sflag:s0], s1  }
0x57: {  	s1 =	ssub.s32 @!p0 $0x0, s1;
	[sflag:s0] =	ssyncset.done @!p0 $0x0  }
0x58: {  	[sflag:s0] =	ssyncadd.s32 @!p0 s1  }
0x59: {  	[bflag:$0x3] =	sbarrier.arrive $0xFFFF  }
0x5a: {  	_ =	shalt  }

// kernel: kernel.17.cloned.1.call-start
scs
__scs_entry_jumppad:
0x0: {  	(pc) =	sbr.rel $0x88, $3  }
0x1: {  	(tag) =	ssettag $0x0;
	lr =	simm.s32 $0x1  }
0x2: {  	[smem:$0x3F96] =	sst lr;
	_ =	strace $0xD0000000  }
0x3: {  	_ = 	snop  }
0x4: {  	_ = 	snop  }
0x5: {  	_ = 	snop  }
0x6: {  	_ = 	snop  }
0x7: {  	_ = 	snop  }
__scs_overlays_trampoline_lowered:
0x8: {  	[smem:$0x3FA5] =	sst s0  }
0x9: {  	[smem:$0x3FA6] =	sst s1  }
0xa: {  	[smem:$0x3FA7] =	sst s2  }
0xb: {  	[smem:$0x3FA8] =	sst s3  }
0xc: {  	[smem:$0x3FA9] =	sst s4  }
0xd: {  	[smem:$0x3FAA] =	sst s5  }
0xe: {  	[smem:$0x3FAB] =	sst s6  }
0xf: {  	[smem:$0x3FAC] =	sst s7  }
0x10: {  	[smem:$0x3FAD] =	sst s8  }
0x11: {  	[smem:$0x3FAE] =	sst s9;
	s0 =	simm.s32 @!p0 $0x0  }
0x12: {  	s1 =	sld [smem:$0x3F94];
	s0 =	simm.s32 @p0 $0x1  }
0x13: {  	[smem:$0x3FAF] =	sst s0;
	s0 =	simm.s32 @!p1 $0x0  }
0x14: {  	s2 =	sld [smem:$0x3F93];
	s0 =	simm.s32 @p1 $0x1  }
0x15: {  	[smem:$0x3FB0] =	sst s0;
	s0 =	simm.s32 @!p2 $0x0  }
0x16: {  	s3 =	sld [smem:$0x3FDB];
	s0 =	simm.s32 @p2 $0x1  }
0x17: {  	s4 =	simm.s32 $0x1BF5;
	[smem:$0x3FB2] =	sst s0  }
0x18: {  	s0 =	sld [smem:$0x3F95];
	_ =	swait.ge [sflag:s4], $0x0  }
0x19: {  	s7 =	sld [smem:$0x3F96]  }
0x1a: {  	s8 =	sadd.s32 $0xFFFFE003, lr  }
0x1b: {  	s9 =	sadd.s32 $0xFFFFFEF7, lr;
	s5 =	simm.s32 $0xFFFFFFFF;
	p2 =	slt.u32 s8, $0xFFFFF086  }
0x1c: {  	p1 =	slt.u32 s9, $0xF7A;
	s5 =	simm.s32 @!p2 $0x0  }
0x1d: {  	s5 =	simm.s32 @p1 $0x1;
	p0 =	seq.s32 s7, s2  }
0x1e: {  	s7 =	smul.u32 @!p0 $0xF7A, s2;
	p2 =	seq.s32 @!p0 s5, $0x0  }
0x1f: {  	s9 =	smul.u32 $0xF7A, s1;
	s8 =	simm.s32 @!p0 $0x1BF5;
	p2 =	por !p2, p0  }
0x20: {  	[sflag:s8] =	ssyncset.s32 @!p0 $0xFFFFF086;
	s6 =	sadd.s32 @!p0 s3, s7;
	s7 =	simm.s32 @!p0 $0x108  }
0x21: {  	s3 =	sadd.s32 s3, s9;
	s6 =	sadd.s32 @!p0 $0x88, s6;
	s7 =	simm.s32 @p2 $0x1082  }
0x22: {  	[simem:s7], [sflag:s8] =	dma.local @!p0 [hbm:s6], $0xF7A  }
0x23: {  	s9 =	sor.u32 $0xD0000000, s2;
	s6 =	simm.s32 $0x108;
	_ =	swait.ge @!p0 [sflag:s8], $0x0  }
0x24: {  	s3 =	sadd.s32 $0x88, s3;
	s6 =	simm.s32 @!p1 $0x1082;
	[sflag:s4] =	ssyncset.s32 $0xFFFFF086  }
0x25: {  	[simem:s6], [sflag:s4] =	dma.local [hbm:s3], $0xF7A  }
0x26: {  	[smem:$0x3F96] =	sst s1;
	(tag) =	ssettag s2;
	_ =	strace s9  }
0x27: {  	s1 =	sld [smem:$0x3FA6]  }
0x28: {  	s2 =	sld [smem:$0x3FA7]  }
0x29: {  	s4 =	sld [smem:$0x3FA9]  }
0x2a: {  	p0 =	seq.s32 s5, $0x0;
	s5 =	sld [smem:$0x3FAA]  }
0x2b: {  	s6 =	sld [smem:$0x3FAB]  }
0x2c: {  	s7 =	sld [smem:$0x3FAC]  }
0x2d: {  	s3 =	simm.s32 $0x108;
	s8 =	sld [smem:$0x3FAD]  }
0x2e: {  	s3 =	simm.s32 @!p0 $0x1082;
	s9 =	sld [smem:$0x3FAE]  }
0x2f: {  	lr =	sadd.s32 s0, s3;
	s0 =	sld [smem:$0x3FA5]  }
0x30: {  	s3 =	sld [smem:$0x3FA8]  }
0x31: {  	[smem:$0x3FB1] =	sst s10  }
0x32: {  	s10 =	sld [smem:$0x3FAF];
	_ =	sdelay $0x3  }
0x33: {  	p0 =	seq.s32 s10, $0x1;
	s10 =	sld [smem:$0x3FB1];
	_ =	sdelay $0x3  }
0x34: {  	[smem:$0x3FB1] =	sst s10  }
0x35: {  	s10 =	sld [smem:$0x3FB0];
	_ =	sdelay $0x3  }
0x36: {  	p1 =	seq.s32 s10, $0x1;
	s10 =	sld [smem:$0x3FB1];
	_ =	sdelay $0x3  }
0x37: {  	[smem:$0x3FB1] =	sst s10  }
0x38: {  	s10 =	sld [smem:$0x3FB2]  }
0x39: {  	_ = 	snop;
	(pc) =	sbr.ind lr, $3  }
0x3a: {  	_ = 	snop  }
0x3b: {  	_ = 	snop  }
0x3c: {  	p2 =	seq.s32 s10, $0x1;
	s10 =	sld [smem:$0x3FB1]  }
0x3d: {  	_ =	shalt  }
0x3e: {  	_ =	shalt  }
0x3f: {  	_ =	shalt  }
0x40: {  	_ =	shalt  }
0x41: {  	_ =	shalt  }
0x42: {  	_ =	shalt  }
0x43: {  	_ =	shalt  }
0x44: {  	_ =	shalt  }
0x45: {  	_ =	shalt  }
0x46: {  	_ =	shalt  }
0x47: {  	_ =	shalt  }
0x48: {  	_ =	shalt  }
0x49: {  	_ =	shalt  }
0x4a: {  	_ =	shalt  }
0x4b: {  	_ =	shalt  }
0x4c: {  	_ =	shalt  }
0x4d: {  	_ =	shalt  }
0x4e: {  	_ =	shalt  }
0x4f: {  	_ =	shalt  }
0x50: {  	_ =	shalt  }
0x51: {  	_ =	shalt  }
0x52: {  	_ =	shalt  }
0x53: {  	_ =	shalt  }
0x54: {  	_ =	shalt  }
0x55: {  	_ =	shalt  }
0x56: {  	_ =	shalt  }
0x57: {  	_ =	shalt  }
0x58: {  	_ =	shalt  }
0x59: {  	_ =	shalt  }
0x5a: {  	_ =	shalt  }
0x5b: {  	_ =	shalt  }
0x5c: {  	_ =	shalt  }
0x5d: {  	_ =	shalt  }
0x5e: {  	_ =	shalt  }
0x5f: {  	_ =	shalt  }
0x60: {  	_ =	shalt  }
0x61: {  	_ =	shalt  }
0x62: {  	_ =	shalt  }
0x63: {  	_ =	shalt  }
0x64: {  	_ =	shalt  }
0x65: {  	_ =	shalt  }
0x66: {  	_ =	shalt  }
0x67: {  	_ =	shalt  }
0x68: {  	_ =	shalt  }
0x69: {  	_ =	shalt  }
0x6a: {  	_ =	shalt  }
0x6b: {  	_ =	shalt  }
0x6c: {  	_ =	shalt  }
0x6d: {  	_ =	shalt  }
0x6e: {  	_ =	shalt  }
0x6f: {  	_ =	shalt  }
0x70: {  	_ =	shalt  }
0x71: {  	_ =	shalt  }
0x72: {  	_ =	shalt  }
0x73: {  	_ =	shalt  }
0x74: {  	_ =	shalt  }
0x75: {  	_ =	shalt  }
0x76: {  	_ =	shalt  }
0x77: {  	_ =	shalt  }
0x78: {  	_ =	shalt  }
0x79: {  	_ =	shalt  }
0x7a: {  	_ =	shalt  }
0x7b: {  	_ =	shalt  }
0x7c: {  	_ =	shalt  }
0x7d: {  	_ =	shalt  }
0x7e: {  	_ =	shalt  }
0x7f: {  	_ =	shalt  }
0x80: {  	_ =	shalt  }
0x81: {  	_ =	shalt  }
0x82: {  	_ =	shalt  }
0x83: {  	_ =	shalt  }
0x84: {  	_ =	shalt  }
0x85: {  	_ =	shalt  }
0x86: {  	_ =	shalt  }
0x87: {  	_ =	shalt  }
.Lfunc_end0:
.L_simem_size_0:
called_computation.2_lowered:
.L_overlay_start_0:
0x88: {  	s2 =	sld [smem:$0x3FD9]  }
0x89: {  	s3 =	sld [smem:$0x3FFE];
	_ =	sdelay $0x1  }
0x8a: {  	s1 =	srdreg.scid  }
0x8b: {  	s0 =	sand.u32 $0x1, s1  }
0x8c: {  	s16 =	sshll.u32 s0, $0xA;
	s2 =	sadd.s32 s3, s2  }
0x8d: {  	s2 =	sadd.s32 s2, s16  }
0x8e: {  	[smem:$0x3FBD] =	sst s2  }
0x8f: {  	_ = 	snop  }
0x90: {  	(tm) =	ssettm $0x1  }
0x91: {  	s17 =	sld [smem:$0x3FFB];
	_ =	sdelay $0x3  }
0x92: {  	_ =	strace s17  }
0x93: {  	s2 =	sld [smem:$0x3FFC];
	_ =	sdelay $0x3  }
0x94: {  	_ =	strace s2  }
0x95: {  	s2 =	sld [smem:$0x3FFD];
	_ =	sdelay $0x3  }
0x96: {  	_ =	strace s2  }
0x97: {  	_ =	strace $0x8FFFFFFF  }
0x98: {  	s18 =	sld [smem:$0x3FDB];
	_ =	sdelay $0x1  }
0x99: {  	s19 =	simm.s32 $_scs_section_size  }
0x9a: {  	s4 =	simm.s32 $_size__tile_overlayer_lowered;
	s5 =	simm.s32 $_tile_overlayer_lowered  }
0x9b: {  	s22 =	simm.s32 $0x1BFF;
	s21 =	sshll.u32 s5, $0x1;
	s2 =	sadd.s32 s19, s18  }
0x9c: {  	s6 =	simm.s32 $0x0;
	s20 =	sshll.u32 s4, $0x1;
	s4 =	sadd.s32 s21, s2  }
0x9d: {  	[timem:s6], [sflag:s22] =	dma.local [hbm:s4], s20  }
0x9e: {  	_ =	swait.ge [sflag:s22], s20  }
0x9f: {  	s3 =	ssub.s32 $0x0, s20;
	[sflag:s22] =	ssyncset.done $0x0  }
0xa0: {  	[sflag:s22] =	ssyncadd.s32 s3;
	_ =	sdelay $0x1  }
0xa1: {  	s23 =	simm.s32 $0x1B8B  }
0xa2: {  	_ =	swait.ge [sflag:s23], $0x1  }
0xa3: {  	[sflag:s23] =	ssyncset.done $0x0  }
0xa4: {  	s25 =	simm.s32 $0x1B8E;
	s24 =	sld [smem:$0x3FFE];
	[sflag:s23] =	ssyncadd.s32 $0xFFFFFFFF  }
0xa5: {  	s26 =	simm.s32 $execute0_lowered;
	[smem:$0x3FD2] =	sst s25  }
0xa6: {  	s4 =	sshll.u32 s26, $0x1;
	_ =	strace $0x8000004C;
	[dreg:$0x1] =	wrdreg $0xFFFFFFFF  }
0xa7: {  	s28 =	simm.s32 $_size_execute0_lowered;
	s2 =	sadd.s32 s2, s4;
	[dreg:$0x0] =	wrdreg $0x0  }
0xa8: {  	s4 =	sshll.u32 s28, $0x1;
	[dreg:$0x2] =	wrdreg s2  }
0xa9: {  	[dreg:$0x3] =	wrdreg s4  }
0xaa: {  	[dreg:$0x4] =	wrdreg $0xC0  }
0xab: {  	_ =	task [dreg:s6], $0x5FFFF  }
0xac: {  	[dreg:$0x1] =	wrdreg $0xFFFFFFFF  }
0xad: {  	[dreg:$0x0] =	wrdreg $0x60  }
0xae: {  	[dreg:$0x2] =	wrdreg s24  }
0xaf: {  	[dreg:$0x3] =	wrdreg $0x41000  }
0xb0: {  	[dreg:$0x4] =	wrdreg $0x9  }
0xb1: {  	_ =	task.clear_ibuf [dreg:s6], $0x5FFFF;
	_ =	strace $0x9000004C  }
0xb2: {  	s29 =	simm.s32 $0x9;
	_ =	strace $0x8000004E  }
0xb3: {  	_ =	swait.ge [sflag:s29], $0x1  }
0xb4: {  	[sflag:s29] =	ssyncadd.s32 $0xFFFFFFFF  }
0xb5: {  	_ =	strace $0x9000004E  }
0xb6: {  	_ =	sfence  }
0xb7: {  	s30 =	sld [smem:$0x0];
	_ =	sdelay $0x2  }
0xb8: {  	s31 =	sshll.u32 s1, $0xD;
	s1 =	sshrl.u32 s1, $0x2  }
0xb9: {  	s3 =	sand.u32 $0x4000, s31;
	s1 =	sadd.s32 s1, s30  }
0xba: {  	s0 =	sor.u32 s3, s0;
	s1 =	sshll.u32 s1, $0x11  }
0xbb: {  	s0 =	sor.u32 s1, s0  }
0xbc: {  	s0 =	sadd.s32 $0x8F2B, s0  }
0xbd: {  	[sflag:s0] =	ssyncadd.remote.s32 $0x1  }
0xbe: {  	_ =	sfence.sel $0xFFFF  }
0xbf: {  	[dreg:$0x0] =	wrdreg $0xFFFFFFFF;
	(pc) =	sbr.abs _section_cstart, $3  }
0xc0: {  	[dreg:$0x1] =	wrdreg $0xFFFFFFFF  }
0xc1: {  	_ =	task.clear_ibuf [dreg:s6], $0x2FFFF;
	_ =	strace $0x9FFFFFFF  }
0xc2: {  	(tm) =	ssettm $0x7FFFFFFF  }
0xc3: {  	_ =	shalt  }
tec
execute0_lowered:
.L_overlay_start_1:
0x0: {  	(tag) =	ssettag $0x1  }
0x1: {  	s5 =	rddreg [dreg:$0x0]  }
0x2: {  	s2 =	rddreg [dreg:$0x1]  }
0x3: {  	s0 =	rddreg [dreg:$0x2];
	s1 =	stileid.u32  }
0x4: {  	s4 =	srdreg.scid;
	s3 =	simm.s32 $0x0;
	s12 =	simm.s32 $0x2  }
0x5: {  	s13 =	simm.s32 $0x80;
	s14 =	simm.s32 $0x100;
	s6 =	smul.u32 $0x9E0, s1  }
0x6: {  	s15 =	simm.s32 $0x1;
	s16 =	simm.s32 $0x0;
	s7 =	smul.u32 $0x13C00, s1  }
0x7: {  	s8 =	sand.u32 $0x1, s4;
	[smem:$0x7FF] =	sst s3;
	s11 =	smul.u32 $0x4F000, s1  }
0x8: {  	s4 =	sadd.s32 $0x65A00, s5;
	s31 =	sshll.u32 s1, $0x6;
	s9 =	smul.u32 $0x13C000, s8  }
0x9: {  	_ =	strace $0x8000004D;
	s28 =	ssub.s32 $0x2, s8;
	s8 =	smul.u32 $0x4F0, s8  }
0xa: {  	s10 =	sadd.s32 s6, s5;
	s26 =	sshrl.u32 s7, $0x3;
	s29 =	sshrl.u32 s28, $0x1  }
0xb: {  	s30 =	sshrl.u32 s11, $0x2;
	s7 =	sadd.s32 s7, s9;
	s6 =	sadd.s32 s26, s5  }
0xc: {  	s9 =	ssub.s32 s28, s29;
	s11 =	sadd.s32 s30, s2;
	s10 =	sadd.s32 s8, s10  }
0xd: {  	s7 =	sshrl.u32 s7, $0x3;
	s8 =	smax.u32 s9, $0x1;
	s9 =	sadd.s32 $0x3400, s10  }
0xe: {  	s10 =	sadd.s32 $0xD200, s10;
	s11 =	sshrl.u32 s11, $0x3;
	s7 =	sadd.s32 s7, s5  }
0xf: {  	s5 =	sadd.s32 $0x3E200, s6;
	s6 =	sor.u32 $0x1C02, s31;
	s7 =	sadd.s32 $0x8CC00, s7  }
.LBB2_1:
0x10: {  	[spmem:s11], [sflag:s6] =	dma.local [hbm:s5], $0x2780  }
0x11: {  	_ =	swait.ge [sflag:s12], $0x2780  }
0x12: {  	[sflag:s12] =	ssyncset.done $0x0  }
0x13: {  	[sflag:s12] =	ssyncadd.s32 $0xFFFFD880  }
0x14: {  	s17 =	sadd.s32 $0x0, s10;
	[bflag:$0x0] =	sbarrier.arrive $0xFFFF  }
0x15: {  	[tilespmem:s3], [sflag:$0x2] =	stream.linear.gather [hbm4b:s17+s3], $0x80, $0x38;
	[tilespmem:$0x17D00] =	vst v63  }
0x16: {  	_ =	swait.ge [sflag:s12], $0x80  }
0x17: {  	[sflag:s12] =	ssyncset.done $0x0  }
0x18: {  	s31 =	sadd.s32 $0x0, s9;
	[sflag:s12] =	ssyncadd.s32 $0xFFFFFF80  }
0x19: {  	[tilespmem:s13], [sflag:$0x2] =	stream.linear.gather [hbm4b:s31+s3], $0x80, $0x38;
	[tilespmem:$0x17D00] =	vst v63  }
0x1a: {  	_ =	swait.ge [sflag:s12], $0x80  }
0x1b: {  	[sflag:s12] =	ssyncset.done $0x0  }
0x1c: {  	[sflag:s12] =	ssyncadd.s32 $0xFFFFFF80  }
0x1d: {  	[tilespmem:s14], [sflag:$0x1] =	stream.indirect.gather [hbm4b:s4+s13], $0x80, s3, s13, $0xb8;
	[tilespmem:$0x17D00] =	vst v63  }
0x1e: {  	_ =	swait.ge [sflag:s15], $0x4000  }
0x1f: {  	[sflag:s15] =	ssyncset.done $0x0  }
0x20: {  	[sflag:s15] =	ssyncadd.s32 $0xFFFFC000  }
0x21: {  	[spmem:s2] =	stream.indirect.scatter.add.f32 [tilespmem:s14], [sflag:$0x2], $0x80, s13, s13, $0xb8;
	[tilespmem:$0x17D00] =	vst v63  }
0x22: {  	_ =	swait.ge [sflag:s12], $0x4000  }
0x23: {  	s18 =	simm.s32 $0x20;
	s17 =	simm.s32 $0x10;
	[sflag:s12] =	ssyncset.done $0x0  }
.LBB2_2:
0x24: {  	s19 =	sadd.s32 s17, s10  }
0x25: {  	[sflag:s12] =	ssyncadd.s32 $0xFFFFC000;
	s20 =	smov.u32 s18;
	s21 =	sadd.s32 $0x10, s18  }
0x26: {  	[tilespmem:s3], [sflag:$0x2] =	stream.linear.gather [hbm4b:s19+s3], $0x80, $0x38;
	[tilespmem:$0x17D00] =	vst v63  }
0x27: {  	p0 =	sne.s32 s18, $0x4E0;
	_ =	swait.ge [sflag:s12], $0x80  }
0x28: {  	[sflag:s12] =	ssyncset.done $0x0  }
0x29: {  	s18 =	sadd.s32 s17, s9;
	s17 =	smov.u32 s20;
	[sflag:s12] =	ssyncadd.s32 $0xFFFFFF80  }
0x2a: {  	[tilespmem:s13], [sflag:$0x2] =	stream.linear.gather [hbm4b:s18+s3], $0x80, $0x38;
	[tilespmem:$0x17D00] =	vst v63  }
0x2b: {  	_ =	swait.ge [sflag:s12], $0x80  }
0x2c: {  	[sflag:s12] =	ssyncset.done $0x0  }
0x2d: {  	[sflag:s12] =	ssyncadd.s32 $0xFFFFFF80  }
0x2e: {  	[tilespmem:s14], [sflag:$0x1] =	stream.indirect.gather [hbm4b:s4+s13], $0x80, s3, s13, $0xb8;
	[tilespmem:$0x17D00] =	vst v63  }
0x2f: {  	_ =	swait.ge [sflag:s15], $0x4000  }
.Ltmp0:
0x30: {  	[sflag:s15] =	ssyncset.done $0x0;
	(pc) =	sbr.rel @p0 .LBB2_2-.Ltmp0, $4  }
0x31: {  	[sflag:s15] =	ssyncadd.s32 $0xFFFFC000  }
0x32: {  	[spmem:s2] =	stream.indirect.scatter.add.f32 [tilespmem:s14], [sflag:$0x2], $0x80, s13, s13, $0xb8;
	[tilespmem:$0x17D00] =	vst v63  }
0x33: {  	_ =	swait.ge [sflag:s12], $0x4000  }
0x34: {  	s18 =	smov.u32 s21;
	[sflag:s12] =	ssyncset.done $0x0  }
0x35: {  	s18 =	sadd.s32 s17, s10;
	[sflag:s12] =	ssyncadd.s32 $0xFFFFC000  }
0x36: {  	[tilespmem:s3], [sflag:$0x2] =	stream.linear.gather [hbm4b:s18+s3], $0x80, $0x38;
	[tilespmem:$0x17D00] =	vst v63  }
0x37: {  	_ =	swait.ge [sflag:s12], $0x80  }
0x38: {  	[sflag:s12] =	ssyncset.done $0x0  }
0x39: {  	s31 =	sadd.s32 s17, s9;
	[sflag:s12] =	ssyncadd.s32 $0xFFFFFF80  }
0x3a: {  	[tilespmem:s13], [sflag:$0x2] =	stream.linear.gather [hbm4b:s31+s3], $0x80, $0x38;
	[tilespmem:$0x17D00] =	vst v63  }
0x3b: {  	_ =	swait.ge [sflag:s12], $0x80  }
0x3c: {  	[sflag:s12] =	ssyncset.done $0x0  }
0x3d: {  	[sflag:s12] =	ssyncadd.s32 $0xFFFFFF80  }
0x3e: {  	[tilespmem:s14], [sflag:$0x1] =	stream.indirect.gather [hbm4b:s4+s13], $0x80, s3, s13, $0xb8;
	[tilespmem:$0x17D00] =	vst v63  }
0x3f: {  	_ =	swait.ge [sflag:s15], $0x4000  }
0x40: {  	[sflag:s15] =	ssyncset.done $0x0  }
0x41: {  	[sflag:s15] =	ssyncadd.s32 $0xFFFFC000  }
0x42: {  	[spmem:s2] =	stream.indirect.scatter.add.f32 [tilespmem:s14], [sflag:$0x2], $0x80, s13, s13, $0xb8;
	[tilespmem:$0x17D00] =	vst v63  }
0x43: {  	_ =	swait.ge [sflag:s12], $0x4000  }
0x44: {  	s16 =	sadd.s32 $0x1, s16;
	[sflag:s12] =	ssyncset.done $0x0  }
0x45: {  	p0 =	sne.s32 s16, s8;
	[sflag:s12] =	ssyncadd.s32 $0xFFFFC000  }
.Ltmp1:
0x46: {  	[bflag:$0x0] =	sbarrier.arrive $0xFFFF;
	(pc) =	sbr.rel @p0 .LBB2_1-.Ltmp1, $4  }
0x47: {  	[hbm:s7], [sflag:s6] =	dma.local [spmem:s11], $0x2780  }
0x48: {  	_ =	swait.ge [sflag:s12], $0x2780  }
0x49: {  	[sflag:s12] =	ssyncset.done $0x0  }
0x4a: {  	[sflag:s12] =	ssyncadd.s32 $0xFFFFD880  }
0x4b: {  	_ =	sfence.sel $0x180000  }
0x4c: {  	[bflag:$0x0] =	sbarrier.arrive $0xFFFF  }
0x4d: {  	p0 =	sne.s32 s1, $0x0;
	_ =	strace $0x9000004D  }
0x4e: {  	s0 =	sadd.s32 @!p0 $0x100000, s0;
	[bflag:$0x2] =	sbarrier.arrive $0xFFFF  }
0x4f: {  	[sflag:s0] =	ssyncadd.tile.s32 @!p0 $0x1;
	_ =	shalt  }
.Lfunc_end2:
_tile_overlayer_lowered:
.L_overlay_start_2:
0x50: {  	(tag) =	ssettag $0x2  }
0x51: {  	s0 =	rddreg [dreg:$0x0];
	s2 =	stileid.u32  }
0x52: {  	s1 =	rddreg [dreg:$0x1];
	p0 =	sne.s32 s2, $0x0  }
0x53: {  	s3 =	rddreg [dreg:$0x2];
	[bflag:$0x3] =	sbarrier.arrive $0xFFFF;
	s2 =	simm.s32 @!p0 $0x1C02  }
0x54: {  	[timem:s3], [sflag:s2] =	dma.local @!p0 [hbm:s0], s1  }
0x55: {  	s0 =	simm.s32 @!p0 $0x2  }
0x56: {  	_ =	swait.ge @!p0 [sflag:s0], s1  }
0x57: {  	s1 =	ssub.s32 @!p0 $0x0, s1;
	[sflag:s0] =	ssyncset.done @!p0 $0x0  }
0x58: {  	[sflag:s0] =	ssyncadd.s32 @!p0 s1  }
0x59: {  	[bflag:$0x3] =	sbarrier.arrive $0xFFFF  }
0x5a: {  	_ =	shalt  }

// kernel: kernel.20.cloned.1.call-start
scs
__scs_entry_jumppad:
0x0: {  	(pc) =	sbr.rel $0x88, $3  }
0x1: {  	(tag) =	ssettag $0x0;
	lr =	simm.s32 $0x1  }
0x2: {  	[smem:$0x3F96] =	sst lr;
	_ =	strace $0xD0000000  }
0x3: {  	_ = 	snop  }
0x4: {  	_ = 	snop  }
0x5: {  	_ = 	snop  }
0x6: {  	_ = 	snop  }
0x7: {  	_ = 	snop  }
__scs_overlays_trampoline_lowered:
0x8: {  	[smem:$0x3FA5] =	sst s0  }
0x9: {  	[smem:$0x3FA6] =	sst s1  }
0xa: {  	[smem:$0x3FA7] =	sst s2  }
0xb: {  	[smem:$0x3FA8] =	sst s3  }
0xc: {  	[smem:$0x3FA9] =	sst s4  }
0xd: {  	[smem:$0x3FAA] =	sst s5  }
0xe: {  	[smem:$0x3FAB] =	sst s6  }
0xf: {  	[smem:$0x3FAC] =	sst s7  }
0x10: {  	[smem:$0x3FAD] =	sst s8  }
0x11: {  	[smem:$0x3FAE] =	sst s9;
	s0 =	simm.s32 @!p0 $0x0  }
0x12: {  	s1 =	sld [smem:$0x3F94];
	s0 =	simm.s32 @p0 $0x1  }
0x13: {  	[smem:$0x3FAF] =	sst s0;
	s0 =	simm.s32 @!p1 $0x0  }
0x14: {  	s2 =	sld [smem:$0x3F93];
	s0 =	simm.s32 @p1 $0x1  }
0x15: {  	[smem:$0x3FB0] =	sst s0;
	s0 =	simm.s32 @!p2 $0x0  }
0x16: {  	s3 =	sld [smem:$0x3FDB];
	s0 =	simm.s32 @p2 $0x1  }
0x17: {  	s4 =	simm.s32 $0x1BF5;
	[smem:$0x3FB2] =	sst s0  }
0x18: {  	s0 =	sld [smem:$0x3F95];
	_ =	swait.ge [sflag:s4], $0x0  }
0x19: {  	s7 =	sld [smem:$0x3F96]  }
0x1a: {  	s8 =	sadd.s32 $0xFFFFE003, lr  }
0x1b: {  	s9 =	sadd.s32 $0xFFFFFEF7, lr;
	s5 =	simm.s32 $0xFFFFFFFF;
	p2 =	slt.u32 s8, $0xFFFFF086  }
0x1c: {  	p1 =	slt.u32 s9, $0xF7A;
	s5 =	simm.s32 @!p2 $0x0  }
0x1d: {  	s5 =	simm.s32 @p1 $0x1;
	p0 =	seq.s32 s7, s2  }
0x1e: {  	s7 =	smul.u32 @!p0 $0xF7A, s2;
	p2 =	seq.s32 @!p0 s5, $0x0  }
0x1f: {  	s9 =	smul.u32 $0xF7A, s1;
	s8 =	simm.s32 @!p0 $0x1BF5;
	p2 =	por !p2, p0  }
0x20: {  	[sflag:s8] =	ssyncset.s32 @!p0 $0xFFFFF086;
	s6 =	sadd.s32 @!p0 s3, s7;
	s7 =	simm.s32 @!p0 $0x108  }
0x21: {  	s3 =	sadd.s32 s3, s9;
	s6 =	sadd.s32 @!p0 $0x88, s6;
	s7 =	simm.s32 @p2 $0x1082  }
0x22: {  	[simem:s7], [sflag:s8] =	dma.local @!p0 [hbm:s6], $0xF7A  }
0x23: {  	s9 =	sor.u32 $0xD0000000, s2;
	s6 =	simm.s32 $0x108;
	_ =	swait.ge @!p0 [sflag:s8], $0x0  }
0x24: {  	s3 =	sadd.s32 $0x88, s3;
	s6 =	simm.s32 @!p1 $0x1082;
	[sflag:s4] =	ssyncset.s32 $0xFFFFF086  }
0x25: {  	[simem:s6], [sflag:s4] =	dma.local [hbm:s3], $0xF7A  }
0x26: {  	[smem:$0x3F96] =	sst s1;
	(tag) =	ssettag s2;
	_ =	strace s9  }
0x27: {  	s1 =	sld [smem:$0x3FA6]  }
0x28: {  	s2 =	sld [smem:$0x3FA7]  }
0x29: {  	s4 =	sld [smem:$0x3FA9]  }
0x2a: {  	p0 =	seq.s32 s5, $0x0;
	s5 =	sld [smem:$0x3FAA]  }
0x2b: {  	s6 =	sld [smem:$0x3FAB]  }
0x2c: {  	s7 =	sld [smem:$0x3FAC]  }
0x2d: {  	s3 =	simm.s32 $0x108;
	s8 =	sld [smem:$0x3FAD]  }
0x2e: {  	s3 =	simm.s32 @!p0 $0x1082;
	s9 =	sld [smem:$0x3FAE]  }
0x2f: {  	lr =	sadd.s32 s0, s3;
	s0 =	sld [smem:$0x3FA5]  }
0x30: {  	s3 =	sld [smem:$0x3FA8]  }
0x31: {  	[smem:$0x3FB1] =	sst s10  }
0x32: {  	s10 =	sld [smem:$0x3FAF];
	_ =	sdelay $0x3  }
0x33: {  	p0 =	seq.s32 s10, $0x1;
	s10 =	sld [smem:$0x3FB1];
	_ =	sdelay $0x3  }
0x34: {  	[smem:$0x3FB1] =	sst s10  }
0x35: {  	s10 =	sld [smem:$0x3FB0];
	_ =	sdelay $0x3  }
0x36: {  	p1 =	seq.s32 s10, $0x1;
	s10 =	sld [smem:$0x3FB1];
	_ =	sdelay $0x3  }
0x37: {  	[smem:$0x3FB1] =	sst s10  }
0x38: {  	s10 =	sld [smem:$0x3FB2]  }
0x39: {  	_ = 	snop;
	(pc) =	sbr.ind lr, $3  }
0x3a: {  	_ = 	snop  }
0x3b: {  	_ = 	snop  }
0x3c: {  	p2 =	seq.s32 s10, $0x1;
	s10 =	sld [smem:$0x3FB1]  }
0x3d: {  	_ =	shalt  }
0x3e: {  	_ =	shalt  }
0x3f: {  	_ =	shalt  }
0x40: {  	_ =	shalt  }
0x41: {  	_ =	shalt  }
0x42: {  	_ =	shalt  }
0x43: {  	_ =	shalt  }
0x44: {  	_ =	shalt  }
0x45: {  	_ =	shalt  }
0x46: {  	_ =	shalt  }
0x47: {  	_ =	shalt  }
0x48: {  	_ =	shalt  }
0x49: {  	_ =	shalt  }
0x4a: {  	_ =	shalt  }
0x4b: {  	_ =	shalt  }
0x4c: {  	_ =	shalt  }
0x4d: {  	_ =	shalt  }
0x4e: {  	_ =	shalt  }
0x4f: {  	_ =	shalt  }
0x50: {  	_ =	shalt  }
0x51: {  	_ =	shalt  }
0x52: {  	_ =	shalt  }
0x53: {  	_ =	shalt  }
0x54: {  	_ =	shalt  }
0x55: {  	_ =	shalt  }
0x56: {  	_ =	shalt  }
0x57: {  	_ =	shalt  }
0x58: {  	_ =	shalt  }
0x59: {  	_ =	shalt  }
0x5a: {  	_ =	shalt  }
0x5b: {  	_ =	shalt  }
0x5c: {  	_ =	shalt  }
0x5d: {  	_ =	shalt  }
0x5e: {  	_ =	shalt  }
0x5f: {  	_ =	shalt  }
0x60: {  	_ =	shalt  }
0x61: {  	_ =	shalt  }
0x62: {  	_ =	shalt  }
0x63: {  	_ =	shalt  }
0x64: {  	_ =	shalt  }
0x65: {  	_ =	shalt  }
0x66: {  	_ =	shalt  }
0x67: {  	_ =	shalt  }
0x68: {  	_ =	shalt  }
0x69: {  	_ =	shalt  }
0x6a: {  	_ =	shalt  }
0x6b: {  	_ =	shalt  }
0x6c: {  	_ =	shalt  }
0x6d: {  	_ =	shalt  }
0x6e: {  	_ =	shalt  }
0x6f: {  	_ =	shalt  }
0x70: {  	_ =	shalt  }
0x71: {  	_ =	shalt  }
0x72: {  	_ =	shalt  }
0x73: {  	_ =	shalt  }
0x74: {  	_ =	shalt  }
0x75: {  	_ =	shalt  }
0x76: {  	_ =	shalt  }
0x77: {  	_ =	shalt  }
0x78: {  	_ =	shalt  }
0x79: {  	_ =	shalt  }
0x7a: {  	_ =	shalt  }
0x7b: {  	_ =	shalt  }
0x7c: {  	_ =	shalt  }
0x7d: {  	_ =	shalt  }
0x7e: {  	_ =	shalt  }
0x7f: {  	_ =	shalt  }
0x80: {  	_ =	shalt  }
0x81: {  	_ =	shalt  }
0x82: {  	_ =	shalt  }
0x83: {  	_ =	shalt  }
0x84: {  	_ =	shalt  }
0x85: {  	_ =	shalt  }
0x86: {  	_ =	shalt  }
0x87: {  	_ =	shalt  }
.Lfunc_end0:
.L_simem_size_0:
called_computation.3_lowered:
.L_overlay_start_0:
0x88: {  	s2 =	sld [smem:$0x3FD9]  }
0x89: {  	s3 =	sld [smem:$0x3FFE];
	_ =	sdelay $0x1  }
0x8a: {  	s1 =	srdreg.scid  }
0x8b: {  	s0 =	sand.u32 $0x1, s1  }
0x8c: {  	s16 =	sshll.u32 s0, $0xA;
	s2 =	sadd.s32 s3, s2  }
0x8d: {  	s2 =	sadd.s32 s2, s16  }
0x8e: {  	[smem:$0x3FBD] =	sst s2  }
0x8f: {  	_ = 	snop  }
0x90: {  	(tm) =	ssettm $0x1  }
0x91: {  	s17 =	sld [smem:$0x3FFB];
	_ =	sdelay $0x3  }
0x92: {  	_ =	strace s17  }
0x93: {  	s2 =	sld [smem:$0x3FFC];
	_ =	sdelay $0x3  }
0x94: {  	_ =	strace s2  }
0x95: {  	s2 =	sld [smem:$0x3FFD];
	_ =	sdelay $0x3  }
0x96: {  	_ =	strace s2  }
0x97: {  	_ =	strace $0x8FFFFFFF  }
0x98: {  	s18 =	sld [smem:$0x3FDB];
	_ =	sdelay $0x1  }
0x99: {  	s19 =	simm.s32 $_scs_section_size  }
0x9a: {  	s4 =	simm.s32 $_size__tile_overlayer_lowered;
	s5 =	simm.s32 $_tile_overlayer_lowered  }
0x9b: {  	s22 =	simm.s32 $0x1BFF;
	s21 =	sshll.u32 s5, $0x1;
	s2 =	sadd.s32 s19, s18  }
0x9c: {  	s6 =	simm.s32 $0x0;
	s20 =	sshll.u32 s4, $0x1;
	s4 =	sadd.s32 s21, s2  }
0x9d: {  	[timem:s6], [sflag:s22] =	dma.local [hbm:s4], s20  }
0x9e: {  	_ =	swait.ge [sflag:s22], s20  }
0x9f: {  	s3 =	ssub.s32 $0x0, s20;
	[sflag:s22] =	ssyncset.done $0x0  }
0xa0: {  	[sflag:s22] =	ssyncadd.s32 s3;
	_ =	sdelay $0x1  }
0xa1: {  	s23 =	simm.s32 $0x1B8B  }
0xa2: {  	_ =	swait.ge [sflag:s23], $0x1  }
0xa3: {  	[sflag:s23] =	ssyncset.done $0x0  }
0xa4: {  	s25 =	simm.s32 $0x1B8E;
	s24 =	sld [smem:$0x3FFE];
	[sflag:s23] =	ssyncadd.s32 $0xFFFFFFFF  }
0xa5: {  	s26 =	simm.s32 $execute0_lowered;
	[smem:$0x3FD2] =	sst s25  }
0xa6: {  	s4 =	sshll.u32 s26, $0x1;
	_ =	strace $0x8000004F;
	[dreg:$0x1] =	wrdreg $0xFFFFFFFF  }
0xa7: {  	s28 =	simm.s32 $_size_execute0_lowered;
	s2 =	sadd.s32 s2, s4;
	[dreg:$0x0] =	wrdreg $0x0  }
0xa8: {  	s4 =	sshll.u32 s28, $0x1;
	[dreg:$0x2] =	wrdreg s2  }
0xa9: {  	[dreg:$0x3] =	wrdreg s4  }
0xaa: {  	[dreg:$0x4] =	wrdreg $0xC0  }
0xab: {  	_ =	task [dreg:s6], $0x5FFFF  }
0xac: {  	[dreg:$0x1] =	wrdreg $0xFFFFFFFF  }
0xad: {  	[dreg:$0x0] =	wrdreg $0x60  }
0xae: {  	[dreg:$0x2] =	wrdreg s24  }
0xaf: {  	[dreg:$0x3] =	wrdreg $0x41000  }
0xb0: {  	[dreg:$0x4] =	wrdreg $0x9  }
0xb1: {  	_ =	task.clear_ibuf [dreg:s6], $0x5FFFF;
	_ =	strace $0x9000004F  }
0xb2: {  	s29 =	simm.s32 $0x9;
	_ =	strace $0x80000051  }
0xb3: {  	_ =	swait.ge [sflag:s29], $0x1  }
0xb4: {  	[sflag:s29] =	ssyncadd.s32 $0xFFFFFFFF  }
0xb5: {  	_ =	strace $0x90000051  }
0xb6: {  	_ =	sfence  }
0xb7: {  	s30 =	sld [smem:$0x0];
	_ =	sdelay $0x2  }
0xb8: {  	s31 =	sshll.u32 s1, $0xD;
	s1 =	sshrl.u32 s1, $0x2  }
0xb9: {  	s3 =	sand.u32 $0x4000, s31;
	s1 =	sadd.s32 s1, s30  }
0xba: {  	s0 =	sor.u32 s3, s0;
	s1 =	sshll.u32 s1, $0x11  }
0xbb: {  	s0 =	sor.u32 s1, s0  }
0xbc: {  	s0 =	sadd.s32 $0x8F2B, s0  }
0xbd: {  	[sflag:s0] =	ssyncadd.remote.s32 $0x1  }
0xbe: {  	_ =	sfence.sel $0xFFFF  }
0xbf: {  	[dreg:$0x0] =	wrdreg $0xFFFFFFFF;
	(pc) =	sbr.abs _section_cstart, $3  }
0xc0: {  	[dreg:$0x1] =	wrdreg $0xFFFFFFFF  }
0xc1: {  	_ =	task.clear_ibuf [dreg:s6], $0x2FFFF;
	_ =	strace $0x9FFFFFFF  }
0xc2: {  	(tm) =	ssettm $0x7FFFFFFF  }
0xc3: {  	_ =	shalt  }
tec
execute0_lowered:
.L_overlay_start_1:
0x0: {  	(tag) =	ssettag $0x1  }
0x1: {  	s5 =	rddreg [dreg:$0x0]  }
0x2: {  	s2 =	rddreg [dreg:$0x1]  }
0x3: {  	s0 =	rddreg [dreg:$0x2];
	s1 =	stileid.u32  }
0x4: {  	s4 =	srdreg.scid;
	s3 =	simm.s32 $0x0;
	s12 =	simm.s32 $0x2  }
0x5: {  	s13 =	simm.s32 $0x80;
	s14 =	simm.s32 $0x100;
	s6 =	smul.u32 $0x9E0, s1  }
0x6: {  	s15 =	simm.s32 $0x1;
	s16 =	simm.s32 $0x0;
	s7 =	smul.u32 $0x13C00, s1  }
0x7: {  	s8 =	sand.u32 $0x1, s4;
	[smem:$0x7FF] =	sst s3;
	s11 =	smul.u32 $0x4F000, s1  }
0x8: {  	s4 =	sadd.s32 $0x65A00, s5;
	s31 =	sshll.u32 s1, $0x6;
	s9 =	smul.u32 $0x13C000, s8  }
0x9: {  	_ =	strace $0x80000050;
	s28 =	ssub.s32 $0x2, s8;
	s8 =	smul.u32 $0x4F0, s8  }
0xa: {  	s10 =	sadd.s32 s6, s5;
	s26 =	sshrl.u32 s7, $0x3;
	s29 =	sshrl.u32 s28, $0x1  }
0xb: {  	s30 =	sshrl.u32 s11, $0x2;
	s7 =	sadd.s32 s7, s9;
	s6 =	sadd.s32 s26, s5  }
0xc: {  	s9 =	ssub.s32 s28, s29;
	s11 =	sadd.s32 s30, s2;
	s10 =	sadd.s32 s8, s10  }
0xd: {  	s7 =	sshrl.u32 s7, $0x3;
	s8 =	smax.u32 s9, $0x1;
	s9 =	sadd.s32 $0x3400, s10  }
0xe: {  	s10 =	sadd.s32 $0xD200, s10;
	s11 =	sshrl.u32 s11, $0x3;
	s7 =	sadd.s32 s7, s5  }
0xf: {  	s5 =	sadd.s32 $0x3E200, s6;
	s6 =	sor.u32 $0x1C02, s31;
	s7 =	sadd.s32 $0x8CC00, s7  }
.LBB2_1:
0x10: {  	[spmem:s11], [sflag:s6] =	dma.local [hbm:s5], $0x2780  }
0x11: {  	_ =	swait.ge [sflag:s12], $0x2780  }
0x12: {  	[sflag:s12] =	ssyncset.done $0x0  }
0x13: {  	[sflag:s12] =	ssyncadd.s32 $0xFFFFD880  }
0x14: {  	s17 =	sadd.s32 $0x0, s10;
	[bflag:$0x0] =	sbarrier.arrive $0xFFFF  }
0x15: {  	[tilespmem:s3], [sflag:$0x2] =	stream.linear.gather [hbm4b:s17+s3], $0x80, $0x38;
	[tilespmem:$0x17D00] =	vst v63  }
0x16: {  	_ =	swait.ge [sflag:s12], $0x80  }
0x17: {  	[sflag:s12] =	ssyncset.done $0x0  }
0x18: {  	s31 =	sadd.s32 $0x0, s9;
	[sflag:s12] =	ssyncadd.s32 $0xFFFFFF80  }
0x19: {  	[tilespmem:s13], [sflag:$0x2] =	stream.linear.gather [hbm4b:s31+s3], $0x80, $0x38;
	[tilespmem:$0x17D00] =	vst v63  }
0x1a: {  	_ =	swait.ge [sflag:s12], $0x80  }
0x1b: {  	[sflag:s12] =	ssyncset.done $0x0  }
0x1c: {  	[sflag:s12] =	ssyncadd.s32 $0xFFFFFF80  }
0x1d: {  	[tilespmem:s14], [sflag:$0x1] =	stream.indirect.gather [hbm4b:s4+s13], $0x80, s3, s13, $0xb8;
	[tilespmem:$0x17D00] =	vst v63  }
0x1e: {  	_ =	swait.ge [sflag:s15], $0x4000  }
0x1f: {  	[sflag:s15] =	ssyncset.done $0x0  }
0x20: {  	[sflag:s15] =	ssyncadd.s32 $0xFFFFC000  }
0x21: {  	[spmem:s2] =	stream.indirect.scatter.add.f32 [tilespmem:s14], [sflag:$0x2], $0x80, s13, s13, $0xb8;
	[tilespmem:$0x17D00] =	vst v63  }
0x22: {  	_ =	swait.ge [sflag:s12], $0x4000  }
0x23: {  	s18 =	simm.s32 $0x20;
	s17 =	simm.s32 $0x10;
	[sflag:s12] =	ssyncset.done $0x0  }
.LBB2_2:
0x24: {  	s19 =	sadd.s32 s17, s10  }
0x25: {  	[sflag:s12] =	ssyncadd.s32 $0xFFFFC000;
	s20 =	smov.u32 s18;
	s21 =	sadd.s32 $0x10, s18  }
0x26: {  	[tilespmem:s3], [sflag:$0x2] =	stream.linear.gather [hbm4b:s19+s3], $0x80, $0x38;
	[tilespmem:$0x17D00] =	vst v63  }
0x27: {  	p0 =	sne.s32 s18, $0x4E0;
	_ =	swait.ge [sflag:s12], $0x80  }
0x28: {  	[sflag:s12] =	ssyncset.done $0x0  }
0x29: {  	s18 =	sadd.s32 s17, s9;
	s17 =	smov.u32 s20;
	[sflag:s12] =	ssyncadd.s32 $0xFFFFFF80  }
0x2a: {  	[tilespmem:s13], [sflag:$0x2] =	stream.linear.gather [hbm4b:s18+s3], $0x80, $0x38;
	[tilespmem:$0x17D00] =	vst v63  }
0x2b: {  	_ =	swait.ge [sflag:s12], $0x80  }
0x2c: {  	[sflag:s12] =	ssyncset.done $0x0  }
0x2d: {  	[sflag:s12] =	ssyncadd.s32 $0xFFFFFF80  }
0x2e: {  	[tilespmem:s14], [sflag:$0x1] =	stream.indirect.gather [hbm4b:s4+s13], $0x80, s3, s13, $0xb8;
	[tilespmem:$0x17D00] =	vst v63  }
0x2f: {  	_ =	swait.ge [sflag:s15], $0x4000  }
.Ltmp0:
0x30: {  	[sflag:s15] =	ssyncset.done $0x0;
	(pc) =	sbr.rel @p0 .LBB2_2-.Ltmp0, $4  }
0x31: {  	[sflag:s15] =	ssyncadd.s32 $0xFFFFC000  }
0x32: {  	[spmem:s2] =	stream.indirect.scatter.add.f32 [tilespmem:s14], [sflag:$0x2], $0x80, s13, s13, $0xb8;
	[tilespmem:$0x17D00] =	vst v63  }
0x33: {  	_ =	swait.ge [sflag:s12], $0x4000  }
0x34: {  	s18 =	smov.u32 s21;
	[sflag:s12] =	ssyncset.done $0x0  }
0x35: {  	s18 =	sadd.s32 s17, s10;
	[sflag:s12] =	ssyncadd.s32 $0xFFFFC000  }
0x36: {  	[tilespmem:s3], [sflag:$0x2] =	stream.linear.gather [hbm4b:s18+s3], $0x80, $0x38;
	[tilespmem:$0x17D00] =	vst v63  }
0x37: {  	_ =	swait.ge [sflag:s12], $0x80  }
0x38: {  	[sflag:s12] =	ssyncset.done $0x0  }
0x39: {  	s31 =	sadd.s32 s17, s9;
	[sflag:s12] =	ssyncadd.s32 $0xFFFFFF80  }
0x3a: {  	[tilespmem:s13], [sflag:$0x2] =	stream.linear.gather [hbm4b:s31+s3], $0x80, $0x38;
	[tilespmem:$0x17D00] =	vst v63  }
0x3b: {  	_ =	swait.ge [sflag:s12], $0x80  }
0x3c: {  	[sflag:s12] =	ssyncset.done $0x0  }
0x3d: {  	[sflag:s12] =	ssyncadd.s32 $0xFFFFFF80  }
0x3e: {  	[tilespmem:s14], [sflag:$0x1] =	stream.indirect.gather [hbm4b:s4+s13], $0x80, s3, s13, $0xb8;
	[tilespmem:$0x17D00] =	vst v63  }
0x3f: {  	_ =	swait.ge [sflag:s15], $0x4000  }
0x40: {  	[sflag:s15] =	ssyncset.done $0x0  }
0x41: {  	[sflag:s15] =	ssyncadd.s32 $0xFFFFC000  }
0x42: {  	[spmem:s2] =	stream.indirect.scatter.add.f32 [tilespmem:s14], [sflag:$0x2], $0x80, s13, s13, $0xb8;
	[tilespmem:$0x17D00] =	vst v63  }
0x43: {  	_ =	swait.ge [sflag:s12], $0x4000  }
0x44: {  	s16 =	sadd.s32 $0x1, s16;
	[sflag:s12] =	ssyncset.done $0x0  }
0x45: {  	p0 =	sne.s32 s16, s8;
	[sflag:s12] =	ssyncadd.s32 $0xFFFFC000  }
.Ltmp1:
0x46: {  	[bflag:$0x0] =	sbarrier.arrive $0xFFFF;
	(pc) =	sbr.rel @p0 .LBB2_1-.Ltmp1, $4  }
0x47: {  	[hbm:s7], [sflag:s6] =	dma.local [spmem:s11], $0x2780  }
0x48: {  	_ =	swait.ge [sflag:s12], $0x2780  }
0x49: {  	[sflag:s12] =	ssyncset.done $0x0  }
0x4a: {  	[sflag:s12] =	ssyncadd.s32 $0xFFFFD880  }
0x4b: {  	_ =	sfence.sel $0x180000  }
0x4c: {  	[bflag:$0x0] =	sbarrier.arrive $0xFFFF  }
0x4d: {  	p0 =	sne.s32 s1, $0x0;
	_ =	strace $0x90000050  }
0x4e: {  	s0 =	sadd.s32 @!p0 $0x100000, s0;
	[bflag:$0x2] =	sbarrier.arrive $0xFFFF  }
0x4f: {  	[sflag:s0] =	ssyncadd.tile.s32 @!p0 $0x1;
	_ =	shalt  }
.Lfunc_end2:
_tile_overlayer_lowered:
.L_overlay_start_2:
0x50: {  	(tag) =	ssettag $0x2  }
0x51: {  	s0 =	rddreg [dreg:$0x0];
	s2 =	stileid.u32  }
0x52: {  	s1 =	rddreg [dreg:$0x1];
	p0 =	sne.s32 s2, $0x0  }
0x53: {  	s3 =	rddreg [dreg:$0x2];
	[bflag:$0x3] =	sbarrier.arrive $0xFFFF;
	s2 =	simm.s32 @!p0 $0x1C02  }
0x54: {  	[timem:s3], [sflag:s2] =	dma.local @!p0 [hbm:s0], s1  }
0x55: {  	s0 =	simm.s32 @!p0 $0x2  }
0x56: {  	_ =	swait.ge @!p0 [sflag:s0], s1  }
0x57: {  	s1 =	ssub.s32 @!p0 $0x0, s1;
	[sflag:s0] =	ssyncset.done @!p0 $0x0  }
0x58: {  	[sflag:s0] =	ssyncadd.s32 @!p0 s1  }
0x59: {  	[bflag:$0x3] =	sbarrier.arrive $0xFFFF  }
0x5a: {  	_ =	shalt  }

</sc_bundles>
